<compile_context>
chip_gen: v7x
topology: tpu7x:2x2x1
jax: 0.10.2.dev20260603
libtpu: 0.0.44.dev20260713+nightly
codegen_flags: <defaults>
</compile_context>

<pallas_src>
import functools

import jax
import jax.numpy as jnp
from jax import lax
from jax.experimental import pallas as pl
from jax.experimental.pallas import tpu as pltpu
from jax.experimental.pallas import tpu_sc as plsc

NC = 2
NS = 16
NW = NC * NS


def _make_agg(n_nodes, n_edges, d, with_counts):
    epw = n_edges // NW
    B = 80
    nch = epw // B
    assert nch * B == epw
    rpt = n_nodes // NS
    RB = 80
    nrb = rpt // RB
    assert nrb * RB == rpt

    out_type = [jax.ShapeDtypeStruct((NC, n_nodes, d), jnp.float32)]
    scratch = [
        pltpu.VMEM((B,), jnp.int32),
        pltpu.VMEM((B,), jnp.int32),
        pltpu.VMEM((RB, d), jnp.float32),
        pltpu.VMEM_SHARED((n_nodes, d), jnp.float32),
        pltpu.SemaphoreType.DMA,
    ]
    if with_counts:
        out_type.append(jax.ShapeDtypeStruct((NC, n_nodes), jnp.float32))
        scratch += [
            pltpu.VMEM((B,), jnp.float32),
            pltpu.VMEM((rpt,), jnp.float32),
            pltpu.VMEM_SHARED((n_nodes,), jnp.float32),
        ]

    mesh = plsc.VectorSubcoreMesh(core_axis_name="c", subcore_axis_name="s")

    @functools.partial(pl.kernel, out_type=out_type, mesh=mesh,
                       scratch_types=scratch)
    def agg(*refs):
        if with_counts:
            (y_hbm, src_hbm, dst_hbm, part_hbm, cnt_hbm,
             idx_s, idx_d, rows, acc, sem, ones, cbuf, cacc) = refs
        else:
            (y_hbm, src_hbm, dst_hbm, part_hbm,
             idx_s, idx_d, rows, acc, sem) = refs
        cid = lax.axis_index("c")
        sid = lax.axis_index("s")
        wid = sid * NC + cid
        ebase = wid * epw
        rbase = sid * rpt

        def zrow(i, carry):
            for j in range(d // 16):
                rows[i, pl.ds(j * 16, 16)] = jnp.zeros((16,), jnp.float32)
            return carry
        lax.fori_loop(0, RB, zrow, 0)
        for j in range(nrb):
            pltpu.sync_copy(rows, acc.at[pl.ds(rbase + j * RB, RB)])
        if with_counts:
            def zcnt(i, carry):
                cbuf[pl.ds(i * 16, 16)] = jnp.zeros((16,), jnp.float32)
                return carry
            lax.fori_loop(0, rpt // 16, zcnt, 0)
            pltpu.sync_copy(cbuf, cacc.at[pl.ds(rbase, rpt)])
            for k in range(B // 16):
                ones[pl.ds(k * 16, 16)] = jnp.ones((16,), jnp.float32)
        plsc.subcore_barrier()

        def step(k, carry):
            eb = ebase + k * B
            pltpu.sync_copy(src_hbm.at[pl.ds(eb, B)], idx_s)
            pltpu.sync_copy(dst_hbm.at[pl.ds(eb, B)], idx_d)
            pltpu.async_copy(y_hbm.at[idx_s], rows, sem).wait()
            pltpu.sync_copy(rows, acc.at[idx_d], add=True)
            if with_counts:
                pltpu.sync_copy(ones, cacc.at[idx_d], add=True)
            return carry
        lax.fori_loop(0, nch, step, 0)
        plsc.subcore_barrier()

        for j in range(nrb):
            r0 = rbase + j * RB
            pltpu.sync_copy(acc.at[pl.ds(r0, RB)], rows)
            pltpu.sync_copy(rows, part_hbm.at[cid, pl.ds(r0, RB)])
        if with_counts:
            pltpu.sync_copy(cacc.at[pl.ds(rbase, rpt)], cbuf)
            pltpu.sync_copy(cbuf, cnt_hbm.at[cid, pl.ds(rbase, rpt)])

    return agg


def _mm1_body(x_ref, wl_ref, wr_ref, b_ref, yl_ref, yr_ref):
    xb = x_ref[...]
    dn = (((1,), (1,)), ((), ()))
    yl_ref[...] = lax.dot_general(xb, wl_ref[...], dn,
                                  preferred_element_type=jnp.float32)
    yr_ref[...] = lax.dot_general(xb, wr_ref[...], dn,
                                  preferred_element_type=jnp.float32) + b_ref[...]


def _mm2_body(p_ref, c_ref, yr_ref, wl_ref, wr_ref, b_ref, yl2_ref, yr2_ref):
    psum = p_ref[0] + p_ref[1]
    c = c_ref[0] + c_ref[1]
    inv = 1.0 / jnp.maximum(c, 1.0)
    h = jnp.maximum(psum * inv + yr_ref[...], 0.0)
    dn = (((1,), (1,)), ((), ()))
    yl2_ref[...] = lax.dot_general(h, wl_ref[...], dn,
                                   preferred_element_type=jnp.float32)
    yr2_ref[...] = lax.dot_general(h, wr_ref[...], dn,
                                   preferred_element_type=jnp.float32) + b_ref[...]


def _fin_body(p_ref, c_ref, yr_ref, o_ref):
    psum = p_ref[0] + p_ref[1]
    c = c_ref[0] + c_ref[1]
    inv = 1.0 / jnp.maximum(c, 1.0)
    o_ref[...] = psum * inv + yr_ref[...]


def kernel(x, edge_index, W1l, b1, W1r, W2l, b2, W2r):
    n, d_in = x.shape
    e = edge_index.shape[1]
    d_hid = W1l.shape[0]
    n_cls = W2l.shape[0]
    d2 = 128
    n_pad = ((n + NS * 16 - 1) // (NS * 16)) * (NS * 16)

    src = edge_index[0].astype(jnp.int32)
    dst = edge_index[1].astype(jnp.int32)

    R = 400
    grid = (n // R,)

    yl1, yr1 = pl.pallas_call(
        _mm1_body,
        grid=grid,
        in_specs=[
            pl.BlockSpec((R, d_in), lambda g: (g, 0)),
            pl.BlockSpec((d_hid, d_in), lambda g: (0, 0)),
            pl.BlockSpec((d_hid, d_in), lambda g: (0, 0)),
            pl.BlockSpec((1, d_hid), lambda g: (0, 0)),
        ],
        out_specs=[pl.BlockSpec((R, d_hid), lambda g: (g, 0)),
                   pl.BlockSpec((R, d_hid), lambda g: (g, 0))],
        out_shape=[jax.ShapeDtypeStruct((n, d_hid), jnp.float32),
                   jax.ShapeDtypeStruct((n, d_hid), jnp.float32)],
    )(x, W1l, W1r, b1[None])

    part1, cnt = _make_agg(n_pad, e, d_hid, True)(yl1, src, dst)
    cnt3 = cnt[:, :, None]

    W2lp = jnp.zeros((d2, d_hid), jnp.float32).at[:n_cls].set(W2l)
    W2rp = jnp.zeros((d2, d_hid), jnp.float32).at[:n_cls].set(W2r)
    b2p = jnp.zeros((1, d2), jnp.float32).at[0, :n_cls].set(b2)
    yl2, yr2 = pl.pallas_call(
        _mm2_body,
        grid=grid,
        in_specs=[
            pl.BlockSpec((NC, R, d_hid), lambda g: (0, g, 0)),
            pl.BlockSpec((NC, R, 1), lambda g: (0, g, 0)),
            pl.BlockSpec((R, d_hid), lambda g: (g, 0)),
            pl.BlockSpec((d2, d_hid), lambda g: (0, 0)),
            pl.BlockSpec((d2, d_hid), lambda g: (0, 0)),
            pl.BlockSpec((1, d2), lambda g: (0, 0)),
        ],
        out_specs=[pl.BlockSpec((R, d2), lambda g: (g, 0)),
                   pl.BlockSpec((R, d2), lambda g: (g, 0))],
        out_shape=[jax.ShapeDtypeStruct((n, d2), jnp.float32),
                   jax.ShapeDtypeStruct((n, d2), jnp.float32)],
    )(part1, cnt3, yr1, W2lp, W2rp, b2p)

    (part2,) = _make_agg(n_pad, e, d2, False)(yl2, src, dst)

    out = pl.pallas_call(
        _fin_body,
        grid=grid,
        in_specs=[
            pl.BlockSpec((NC, R, d2), lambda g: (0, g, 0)),
            pl.BlockSpec((NC, R, 1), lambda g: (0, g, 0)),
            pl.BlockSpec((R, d2), lambda g: (g, 0)),
        ],
        out_specs=pl.BlockSpec((R, d2), lambda g: (g, 0)),
        out_shape=jax.ShapeDtypeStruct((n, d2), jnp.float32),
    )(part2, cnt3, yr2)

    return out[:, :n_cls]

# --- scband reference (transcript-rebuilt; emitter-appended) ---
"""Pipeline reference for scband-sage-full-pyg-38225208934555 (READ-ONLY COPY).

The authoritative reference and input builder live on the scoring server;
editing this copy changes nothing except your own understanding.
"""

import jax, jax.numpy as jnp
import numpy as np

N = 10000
E = 320000
D_IN = 128
D_HID = 128
N_CLASSES = 47


def setup_inputs(seed: int = 0) -> dict:
    key = jax.random.key(seed)
    ks = jax.random.split(key, 8)
    x = jax.random.normal(ks[0], (N, D_IN), dtype=jnp.float32)
    edge_index = jax.random.randint(ks[1], (2, E), 0, N, dtype=jnp.int64)
    # Layer 1 (SAGEConv in=128 out=128): lin_l (with bias), lin_r (no bias)
    s1 = 1.0 / np.sqrt(D_IN)
    W1l = jax.random.uniform(ks[2], (D_HID, D_IN), jnp.float32, -s1, s1)
    b1 = jax.random.uniform(ks[3], (D_HID,), jnp.float32, -s1, s1)
    W1r = jax.random.uniform(ks[4], (D_HID, D_IN), jnp.float32, -s1, s1)
    # Layer 2 (SAGEConv in=128 out=47)
    s2 = 1.0 / np.sqrt(D_HID)
    W2l = jax.random.uniform(ks[5], (N_CLASSES, D_HID), jnp.float32, -s2, s2)
    b2 = jax.random.uniform(ks[6], (N_CLASSES,), jnp.float32, -s2, s2)
    W2r = jax.random.uniform(ks[7], (N_CLASSES, D_HID), jnp.float32, -s2, s2)
    return {"x": x, "edge_index": edge_index, "W1l": W1l, "b1": b1, "W1r": W1r,
            "W2l": W2l, "b2": b2, "W2r": W2r}


def _sage_conv(h, src, dst, Wl, bl, Wr):
    # PyG SAGEConv with mean aggregation:
    # out = lin_l(mean_{j in N(i)} h_j) + lin_r(h_i)
    msgs = jnp.take(h, src, axis=0)                      # gather  [E, d]
    summed = jax.ops.segment_sum(msgs, dst, num_segments=N)
    counts = jax.ops.segment_sum(jnp.ones((msgs.shape[0],), jnp.float32), dst,
                                 num_segments=N)
    mean = summed / jnp.maximum(counts, 1.0)[:, None]
    return mean @ Wl.T + bl + h @ Wr.T


def reference(x, edge_index, W1l, b1, W1r, W2l, b2, W2r):
    # Dropout is identity at inference time.
    src = edge_index[0]
    dst = edge_index[1]
    h = _sage_conv(x, src, dst, W1l, b1, W1r)
    h = jax.nn.relu(h)
    h = _sage_conv(h, src, dst, W2l, b2, W2r)
    return h

if __name__ == "__main__":
    import jax
    _d = setup_inputs()
    print(jax.jit(kernel)(*tuple(_d.values())))

</pallas_src>

<mosaic_0001>
#map = affine_map<(d0, d1) -> (0, 0)>
#map1 = affine_map<(d0, d1) -> (0)>
#map2 = affine_map<(d0, d1) -> (0, 0, 0)>
module attributes {stable_mosaic.version = 14 : i64} {
  func.func @agg(%arg0: i32, %arg1: i32, %arg2: memref<10000x128xf32, #tpu.memory_space<hbm>>, %arg3: memref<320000xi32, #tpu.memory_space<hbm>>, %arg4: memref<320000xi32, #tpu.memory_space<hbm>>, %arg5: memref<2x10240x128xf32, #tpu.memory_space<hbm>>, %arg6: memref<80xi32, #tpu.memory_space<vmem>>, %arg7: memref<80xi32, #tpu.memory_space<vmem>>, %arg8: memref<80x128xf32, #tpu.memory_space<vmem>>, %arg9: memref<10240x128xf32, #tpu.memory_space<vmem_shared>>, %arg10: memref<!tpu.dma_semaphore, #tpu.memory_space<semaphore_mem>>) attributes {dimension_semantics = [#tpu.dimension_semantics<core_parallel>, #tpu.dimension_semantics<subcore_parallel>], iteration_bounds = array<i64: 2, 16>, scalar_prefetch = 0 : i64, scratch_operands = 5 : i64, tpu.core_type = #tpu.core_type<sc_vector_subcore>, window_params = [{transform_indices = #map}, {transform_indices = #map1}, {transform_indices = #map1}, {transform_indices = #map2}]} {
    %mul3A = arith.constant 2 : i32
    %mul3A_0 = arith.muli %arg1, %mul3A : i32
    %add3A = arith.addi %mul3A_0, %arg0 : i32
    %mul3A_1 = arith.constant 10000 : i32
    %mul3A_2 = arith.muli %add3A, %mul3A_1 : i32
    %mul3A_3 = arith.constant 640 : i32
    %mul3A_4 = arith.muli %arg1, %mul3A_3 : i32
    %scan3A = arith.constant 0 : i32
    %scan3A_5 = arith.constant 0 : i32
    %scan3A_6 = arith.constant 80 : i32
    %scan3A_7 = arith.addi %scan3A_5, %scan3A_6 : i32
    %scan3A_8 = arith.constant 1 : i32
    scf.for %scan3A_49 = %scan3A_5 to %scan3A_7 step %scan3A_8  : i32 {
      %broadcast_in_dim3A = arith.constant 0.000000e+00 : f32
      %broadcast_in_dim3A_50 = vector.broadcast %broadcast_in_dim3A : f32 to vector<16xf32>
      %swap3A = arith.index_cast %scan3A_49 : i32 to index
      %swap3A_51 = arith.constant 0 : index
      %swap3A_52 = tpu.vector_load %arg8[%swap3A, %swap3A_51] {strides = array<i32>} : memref<80x128xf32, #tpu.memory_space<vmem>>, vector<1x16xf32>,
      %swap3A_53 = vector.shape_cast %swap3A_52 : vector<1x16xf32> to vector<16xf32>
      %swap3A_54 = vector.shape_cast %broadcast_in_dim3A_50 : vector<16xf32> to vector<1x16xf32>
      tpu.vector_store %arg8[%swap3A, %swap3A_51], %swap3A_54 {strides = array<i32>} : memref<80x128xf32, #tpu.memory_space<vmem>>, vector<1x16xf32>,
      %broadcast_in_dim3A_55 = arith.constant 0.000000e+00 : f32
      %broadcast_in_dim3A_56 = vector.broadcast %broadcast_in_dim3A_55 : f32 to vector<16xf32>
      %swap3A_57 = arith.index_cast %scan3A_49 : i32 to index
      %swap3A_58 = arith.constant 16 : index
      %swap3A_59 = tpu.vector_load %arg8[%swap3A_57, %swap3A_58] {strides = array<i32>} : memref<80x128xf32, #tpu.memory_space<vmem>>, vector<1x16xf32>,
      %swap3A_60 = vector.shape_cast %swap3A_59 : vector<1x16xf32> to vector<16xf32>
      %swap3A_61 = vector.shape_cast %broadcast_in_dim3A_56 : vector<16xf32> to vector<1x16xf32>
      tpu.vector_store %arg8[%swap3A_57, %swap3A_58], %swap3A_61 {strides = array<i32>} : memref<80x128xf32, #tpu.memory_space<vmem>>, vector<1x16xf32>,
      %broadcast_in_dim3A_62 = arith.constant 0.000000e+00 : f32
      %broadcast_in_dim3A_63 = vector.broadcast %broadcast_in_dim3A_62 : f32 to vector<16xf32>
      %swap3A_64 = arith.index_cast %scan3A_49 : i32 to index
      %swap3A_65 = arith.constant 32 : index
      %swap3A_66 = tpu.vector_load %arg8[%swap3A_64, %swap3A_65] {strides = array<i32>} : memref<80x128xf32, #tpu.memory_space<vmem>>, vector<1x16xf32>,
      %swap3A_67 = vector.shape_cast %swap3A_66 : vector<1x16xf32> to vector<16xf32>
      %swap3A_68 = vector.shape_cast %broadcast_in_dim3A_63 : vector<16xf32> to vector<1x16xf32>
      tpu.vector_store %arg8[%swap3A_64, %swap3A_65], %swap3A_68 {strides = array<i32>} : memref<80x128xf32, #tpu.memory_space<vmem>>, vector<1x16xf32>,
      %broadcast_in_dim3A_69 = arith.constant 0.000000e+00 : f32
      %broadcast_in_dim3A_70 = vector.broadcast %broadcast_in_dim3A_69 : f32 to vector<16xf32>
      %swap3A_71 = arith.index_cast %scan3A_49 : i32 to index
      %swap3A_72 = arith.constant 48 : index
      %swap3A_73 = tpu.vector_load %arg8[%swap3A_71, %swap3A_72] {strides = array<i32>} : memref<80x128xf32, #tpu.memory_space<vmem>>, vector<1x16xf32>,
      %swap3A_74 = vector.shape_cast %swap3A_73 : vector<1x16xf32> to vector<16xf32>
      %swap3A_75 = vector.shape_cast %broadcast_in_dim3A_70 : vector<16xf32> to vector<1x16xf32>
      tpu.vector_store %arg8[%swap3A_71, %swap3A_72], %swap3A_75 {strides = array<i32>} : memref<80x128xf32, #tpu.memory_space<vmem>>, vector<1x16xf32>,
      %broadcast_in_dim3A_76 = arith.constant 0.000000e+00 : f32
      %broadcast_in_dim3A_77 = vector.broadcast %broadcast_in_dim3A_76 : f32 to vector<16xf32>
      %swap3A_78 = arith.index_cast %scan3A_49 : i32 to index
      %swap3A_79 = arith.constant 64 : index
      %swap3A_80 = tpu.vector_load %arg8[%swap3A_78, %swap3A_79] {strides = array<i32>} : memref<80x128xf32, #tpu.memory_space<vmem>>, vector<1x16xf32>,
      %swap3A_81 = vector.shape_cast %swap3A_80 : vector<1x16xf32> to vector<16xf32>
      %swap3A_82 = vector.shape_cast %broadcast_in_dim3A_77 : vector<16xf32> to vector<1x16xf32>
      tpu.vector_store %arg8[%swap3A_78, %swap3A_79], %swap3A_82 {strides = array<i32>} : memref<80x128xf32, #tpu.memory_space<vmem>>, vector<1x16xf32>,
      %broadcast_in_dim3A_83 = arith.constant 0.000000e+00 : f32
      %broadcast_in_dim3A_84 = vector.broadcast %broadcast_in_dim3A_83 : f32 to vector<16xf32>
      %swap3A_85 = arith.index_cast %scan3A_49 : i32 to index
      %swap3A_86 = arith.constant 80 : index
      %swap3A_87 = tpu.vector_load %arg8[%swap3A_85, %swap3A_86] {strides = array<i32>} : memref<80x128xf32, #tpu.memory_space<vmem>>, vector<1x16xf32>,
      %swap3A_88 = vector.shape_cast %swap3A_87 : vector<1x16xf32> to vector<16xf32>
      %swap3A_89 = vector.shape_cast %broadcast_in_dim3A_84 : vector<16xf32> to vector<1x16xf32>
      tpu.vector_store %arg8[%swap3A_85, %swap3A_86], %swap3A_89 {strides = array<i32>} : memref<80x128xf32, #tpu.memory_space<vmem>>, vector<1x16xf32>,
      %broadcast_in_dim3A_90 = arith.constant 0.000000e+00 : f32
      %broadcast_in_dim3A_91 = vector.broadcast %broadcast_in_dim3A_90 : f32 to vector<16xf32>
      %swap3A_92 = arith.index_cast %scan3A_49 : i32 to index
      %swap3A_93 = arith.constant 96 : index
      %swap3A_94 = tpu.vector_load %arg8[%swap3A_92, %swap3A_93] {strides = array<i32>} : memref<80x128xf32, #tpu.memory_space<vmem>>, vector<1x16xf32>,
      %swap3A_95 = vector.shape_cast %swap3A_94 : vector<1x16xf32> to vector<16xf32>
      %swap3A_96 = vector.shape_cast %broadcast_in_dim3A_91 : vector<16xf32> to vector<1x16xf32>
      tpu.vector_store %arg8[%swap3A_92, %swap3A_93], %swap3A_96 {strides = array<i32>} : memref<80x128xf32, #tpu.memory_space<vmem>>, vector<1x16xf32>,
      %broadcast_in_dim3A_97 = arith.constant 0.000000e+00 : f32
      %broadcast_in_dim3A_98 = vector.broadcast %broadcast_in_dim3A_97 : f32 to vector<16xf32>
      %swap3A_99 = arith.index_cast %scan3A_49 : i32 to index
      %swap3A_100 = arith.constant 112 : index
      %swap3A_101 = tpu.vector_load %arg8[%swap3A_99, %swap3A_100] {strides = array<i32>} : memref<80x128xf32, #tpu.memory_space<vmem>>, vector<1x16xf32>,
      %swap3A_102 = vector.shape_cast %swap3A_101 : vector<1x16xf32> to vector<16xf32>
      %swap3A_103 = vector.shape_cast %broadcast_in_dim3A_98 : vector<16xf32> to vector<1x16xf32>
      tpu.vector_store %arg8[%swap3A_99, %swap3A_100], %swap3A_103 {strides = array<i32>} : memref<80x128xf32, #tpu.memory_space<vmem>>, vector<1x16xf32>,
    }
    %scan3A_9 = arith.constant 80 : i32
    %add3A_10 = arith.constant 0 : i32
    %add3A_11 = arith.addi %mul3A_4, %add3A_10 : i32
    "tpu.region"() ({
      %run_scoped3A = tpu.sem_alloc : memref<!tpu.dma_semaphore, #tpu.memory_space<semaphore_mem>>
      %dma_start3A = arith.constant 0 : i32
      %dma_start3A_49 = tpu.memref_slice %arg9[%add3A_11, %dma_start3A] : memref<10240x128xf32, #tpu.memory_space<vmem_shared>> -> memref<80x128xf32, #tpu.memory_space<vmem_shared>>
      %dma_start3A_50 = arith.constant 0 : i32
      %dma_start3A_51 = tpu.memref_slice %arg9[%add3A_11, %dma_start3A_50] : memref<10240x128xf32, #tpu.memory_space<vmem_shared>> -> memref<80x128xf32, #tpu.memory_space<vmem_shared>>
      tpu.enqueue_dma source(%arg8 : memref<80x128xf32, #tpu.memory_space<vmem>>) target(%dma_start3A_51 : memref<80x128xf32, #tpu.memory_space<vmem_shared>>) target_semaphore(%run_scoped3A : memref<!tpu.dma_semaphore, #tpu.memory_space<semaphore_mem>>)
      %dma_wait3A = arith.constant 0 : i32
      %dma_wait3A_52 = tpu.memref_slice %arg9[%add3A_11, %dma_wait3A] : memref<10240x128xf32, #tpu.memory_space<vmem_shared>> -> memref<80x128xf32, #tpu.memory_space<vmem_shared>>
      %dma_wait3A_53 = arith.constant 0 : i32
      %dma_wait3A_54 = tpu.memref_slice %arg9[%add3A_11, %dma_wait3A_53] : memref<10240x128xf32, #tpu.memory_space<vmem_shared>> -> memref<80x128xf32, #tpu.memory_space<vmem_shared>>
      tpu.wait_dma2 semaphore(%run_scoped3A : memref<!tpu.dma_semaphore, #tpu.memory_space<semaphore_mem>>) src(%arg8 : memref<80x128xf32, #tpu.memory_space<vmem>>) dst(%dma_wait3A_54 : memref<80x128xf32, #tpu.memory_space<vmem_shared>>)
      tpu.yield
    }) : () -> ()
    %add3A_12 = arith.constant 80 : i32
    %add3A_13 = arith.addi %mul3A_4, %add3A_12 : i32
    "tpu.region"() ({
      %run_scoped3A = tpu.sem_alloc : memref<!tpu.dma_semaphore, #tpu.memory_space<semaphore_mem>>
      %dma_start3A = arith.constant 0 : i32
      %dma_start3A_49 = tpu.memref_slice %arg9[%add3A_13, %dma_start3A] : memref<10240x128xf32, #tpu.memory_space<vmem_shared>> -> memref<80x128xf32, #tpu.memory_space<vmem_shared>>
      %dma_start3A_50 = arith.constant 0 : i32
      %dma_start3A_51 = tpu.memref_slice %arg9[%add3A_13, %dma_start3A_50] : memref<10240x128xf32, #tpu.memory_space<vmem_shared>> -> memref<80x128xf32, #tpu.memory_space<vmem_shared>>
      tpu.enqueue_dma source(%arg8 : memref<80x128xf32, #tpu.memory_space<vmem>>) target(%dma_start3A_51 : memref<80x128xf32, #tpu.memory_space<vmem_shared>>) target_semaphore(%run_scoped3A : memref<!tpu.dma_semaphore, #tpu.memory_space<semaphore_mem>>)
      %dma_wait3A = arith.constant 0 : i32
      %dma_wait3A_52 = tpu.memref_slice %arg9[%add3A_13, %dma_wait3A] : memref<10240x128xf32, #tpu.memory_space<vmem_shared>> -> memref<80x128xf32, #tpu.memory_space<vmem_shared>>
      %dma_wait3A_53 = arith.constant 0 : i32
      %dma_wait3A_54 = tpu.memref_slice %arg9[%add3A_13, %dma_wait3A_53] : memref<10240x128xf32, #tpu.memory_space<vmem_shared>> -> memref<80x128xf32, #tpu.memory_space<vmem_shared>>
      tpu.wait_dma2 semaphore(%run_scoped3A : memref<!tpu.dma_semaphore, #tpu.memory_space<semaphore_mem>>) src(%arg8 : memref<80x128xf32, #tpu.memory_space<vmem>>) dst(%dma_wait3A_54 : memref<80x128xf32, #tpu.memory_space<vmem_shared>>)
      tpu.yield
    }) : () -> ()
    %add3A_14 = arith.constant 160 : i32
    %add3A_15 = arith.addi %mul3A_4, %add3A_14 : i32
    "tpu.region"() ({
      %run_scoped3A = tpu.sem_alloc : memref<!tpu.dma_semaphore, #tpu.memory_space<semaphore_mem>>
      %dma_start3A = arith.constant 0 : i32
      %dma_start3A_49 = tpu.memref_slice %arg9[%add3A_15, %dma_start3A] : memref<10240x128xf32, #tpu.memory_space<vmem_shared>> -> memref<80x128xf32, #tpu.memory_space<vmem_shared>>
      %dma_start3A_50 = arith.constant 0 : i32
      %dma_start3A_51 = tpu.memref_slice %arg9[%add3A_15, %dma_start3A_50] : memref<10240x128xf32, #tpu.memory_space<vmem_shared>> -> memref<80x128xf32, #tpu.memory_space<vmem_shared>>
      tpu.enqueue_dma source(%arg8 : memref<80x128xf32, #tpu.memory_space<vmem>>) target(%dma_start3A_51 : memref<80x128xf32, #tpu.memory_space<vmem_shared>>) target_semaphore(%run_scoped3A : memref<!tpu.dma_semaphore, #tpu.memory_space<semaphore_mem>>)
      %dma_wait3A = arith.constant 0 : i32
      %dma_wait3A_52 = tpu.memref_slice %arg9[%add3A_15, %dma_wait3A] : memref<10240x128xf32, #tpu.memory_space<vmem_shared>> -> memref<80x128xf32, #tpu.memory_space<vmem_shared>>
      %dma_wait3A_53 = arith.constant 0 : i32
      %dma_wait3A_54 = tpu.memref_slice %arg9[%add3A_15, %dma_wait3A_53] : memref<10240x128xf32, #tpu.memory_space<vmem_shared>> -> memref<80x128xf32, #tpu.memory_space<vmem_shared>>
      tpu.wait_dma2 semaphore(%run_scoped3A : memref<!tpu.dma_semaphore, #tpu.memory_space<semaphore_mem>>) src(%arg8 : memref<80x128xf32, #tpu.memory_space<vmem>>) dst(%dma_wait3A_54 : memref<80x128xf32, #tpu.memory_space<vmem_shared>>)
      tpu.yield
    }) : () -> ()
    %add3A_16 = arith.constant 240 : i32
    %add3A_17 = arith.addi %mul3A_4, %add3A_16 : i32
    "tpu.region"() ({
      %run_scoped3A = tpu.sem_alloc : memref<!tpu.dma_semaphore, #tpu.memory_space<semaphore_mem>>
      %dma_start3A = arith.constant 0 : i32
      %dma_start3A_49 = tpu.memref_slice %arg9[%add3A_17, %dma_start3A] : memref<10240x128xf32, #tpu.memory_space<vmem_shared>> -> memref<80x128xf32, #tpu.memory_space<vmem_shared>>
      %dma_start3A_50 = arith.constant 0 : i32
      %dma_start3A_51 = tpu.memref_slice %arg9[%add3A_17, %dma_start3A_50] : memref<10240x128xf32, #tpu.memory_space<vmem_shared>> -> memref<80x128xf32, #tpu.memory_space<vmem_shared>>
      tpu.enqueue_dma source(%arg8 : memref<80x128xf32, #tpu.memory_space<vmem>>) target(%dma_start3A_51 : memref<80x128xf32, #tpu.memory_space<vmem_shared>>) target_semaphore(%run_scoped3A : memref<!tpu.dma_semaphore, #tpu.memory_space<semaphore_mem>>)
      %dma_wait3A = arith.constant 0 : i32
      %dma_wait3A_52 = tpu.memref_slice %arg9[%add3A_17, %dma_wait3A] : memref<10240x128xf32, #tpu.memory_space<vmem_shared>> -> memref<80x128xf32, #tpu.memory_space<vmem_shared>>
      %dma_wait3A_53 = arith.constant 0 : i32
      %dma_wait3A_54 = tpu.memref_slice %arg9[%add3A_17, %dma_wait3A_53] : memref<10240x128xf32, #tpu.memory_space<vmem_shared>> -> memref<80x128xf32, #tpu.memory_space<vmem_shared>>
      tpu.wait_dma2 semaphore(%run_scoped3A : memref<!tpu.dma_semaphore, #tpu.memory_space<semaphore_mem>>) src(%arg8 : memref<80x128xf32, #tpu.memory_space<vmem>>) dst(%dma_wait3A_54 : memref<80x128xf32, #tpu.memory_space<vmem_shared>>)
      tpu.yield
    }) : () -> ()
    %add3A_18 = arith.constant 320 : i32
    %add3A_19 = arith.addi %mul3A_4, %add3A_18 : i32
    "tpu.region"() ({
      %run_scoped3A = tpu.sem_alloc : memref<!tpu.dma_semaphore, #tpu.memory_space<semaphore_mem>>
      %dma_start3A = arith.constant 0 : i32
      %dma_start3A_49 = tpu.memref_slice %arg9[%add3A_19, %dma_start3A] : memref<10240x128xf32, #tpu.memory_space<vmem_shared>> -> memref<80x128xf32, #tpu.memory_space<vmem_shared>>
      %dma_start3A_50 = arith.constant 0 : i32
      %dma_start3A_51 = tpu.memref_slice %arg9[%add3A_19, %dma_start3A_50] : memref<10240x128xf32, #tpu.memory_space<vmem_shared>> -> memref<80x128xf32, #tpu.memory_space<vmem_shared>>
      tpu.enqueue_dma source(%arg8 : memref<80x128xf32, #tpu.memory_space<vmem>>) target(%dma_start3A_51 : memref<80x128xf32, #tpu.memory_space<vmem_shared>>) target_semaphore(%run_scoped3A : memref<!tpu.dma_semaphore, #tpu.memory_space<semaphore_mem>>)
      %dma_wait3A = arith.constant 0 : i32
      %dma_wait3A_52 = tpu.memref_slice %arg9[%add3A_19, %dma_wait3A] : memref<10240x128xf32, #tpu.memory_space<vmem_shared>> -> memref<80x128xf32, #tpu.memory_space<vmem_shared>>
      %dma_wait3A_53 = arith.constant 0 : i32
      %dma_wait3A_54 = tpu.memref_slice %arg9[%add3A_19, %dma_wait3A_53] : memref<10240x128xf32, #tpu.memory_space<vmem_shared>> -> memref<80x128xf32, #tpu.memory_space<vmem_shared>>
      tpu.wait_dma2 semaphore(%run_scoped3A : memref<!tpu.dma_semaphore, #tpu.memory_space<semaphore_mem>>) src(%arg8 : memref<80x128xf32, #tpu.memory_space<vmem>>) dst(%dma_wait3A_54 : memref<80x128xf32, #tpu.memory_space<vmem_shared>>)
      tpu.yield
    }) : () -> ()
    %add3A_20 = arith.constant 400 : i32
    %add3A_21 = arith.addi %mul3A_4, %add3A_20 : i32
    "tpu.region"() ({
      %run_scoped3A = tpu.sem_alloc : memref<!tpu.dma_semaphore, #tpu.memory_space<semaphore_mem>>
      %dma_start3A = arith.constant 0 : i32
      %dma_start3A_49 = tpu.memref_slice %arg9[%add3A_21, %dma_start3A] : memref<10240x128xf32, #tpu.memory_space<vmem_shared>> -> memref<80x128xf32, #tpu.memory_space<vmem_shared>>
      %dma_start3A_50 = arith.constant 0 : i32
      %dma_start3A_51 = tpu.memref_slice %arg9[%add3A_21, %dma_start3A_50] : memref<10240x128xf32, #tpu.memory_space<vmem_shared>> -> memref<80x128xf32, #tpu.memory_space<vmem_shared>>
      tpu.enqueue_dma source(%arg8 : memref<80x128xf32, #tpu.memory_space<vmem>>) target(%dma_start3A_51 : memref<80x128xf32, #tpu.memory_space<vmem_shared>>) target_semaphore(%run_scoped3A : memref<!tpu.dma_semaphore, #tpu.memory_space<semaphore_mem>>)
      %dma_wait3A = arith.constant 0 : i32
      %dma_wait3A_52 = tpu.memref_slice %arg9[%add3A_21, %dma_wait3A] : memref<10240x128xf32, #tpu.memory_space<vmem_shared>> -> memref<80x128xf32, #tpu.memory_space<vmem_shared>>
      %dma_wait3A_53 = arith.constant 0 : i32
      %dma_wait3A_54 = tpu.memref_slice %arg9[%add3A_21, %dma_wait3A_53] : memref<10240x128xf32, #tpu.memory_space<vmem_shared>> -> memref<80x128xf32, #tpu.memory_space<vmem_shared>>
      tpu.wait_dma2 semaphore(%run_scoped3A : memref<!tpu.dma_semaphore, #tpu.memory_space<semaphore_mem>>) src(%arg8 : memref<80x128xf32, #tpu.memory_space<vmem>>) dst(%dma_wait3A_54 : memref<80x128xf32, #tpu.memory_space<vmem_shared>>)
      tpu.yield
    }) : () -> ()
    %add3A_22 = arith.constant 480 : i32
    %add3A_23 = arith.addi %mul3A_4, %add3A_22 : i32
    "tpu.region"() ({
      %run_scoped3A = tpu.sem_alloc : memref<!tpu.dma_semaphore, #tpu.memory_space<semaphore_mem>>
      %dma_start3A = arith.constant 0 : i32
      %dma_start3A_49 = tpu.memref_slice %arg9[%add3A_23, %dma_start3A] : memref<10240x128xf32, #tpu.memory_space<vmem_shared>> -> memref<80x128xf32, #tpu.memory_space<vmem_shared>>
      %dma_start3A_50 = arith.constant 0 : i32
      %dma_start3A_51 = tpu.memref_slice %arg9[%add3A_23, %dma_start3A_50] : memref<10240x128xf32, #tpu.memory_space<vmem_shared>> -> memref<80x128xf32, #tpu.memory_space<vmem_shared>>
      tpu.enqueue_dma source(%arg8 : memref<80x128xf32, #tpu.memory_space<vmem>>) target(%dma_start3A_51 : memref<80x128xf32, #tpu.memory_space<vmem_shared>>) target_semaphore(%run_scoped3A : memref<!tpu.dma_semaphore, #tpu.memory_space<semaphore_mem>>)
      %dma_wait3A = arith.constant 0 : i32
      %dma_wait3A_52 = tpu.memref_slice %arg9[%add3A_23, %dma_wait3A] : memref<10240x128xf32, #tpu.memory_space<vmem_shared>> -> memref<80x128xf32, #tpu.memory_space<vmem_shared>>
      %dma_wait3A_53 = arith.constant 0 : i32
      %dma_wait3A_54 = tpu.memref_slice %arg9[%add3A_23, %dma_wait3A_53] : memref<10240x128xf32, #tpu.memory_space<vmem_shared>> -> memref<80x128xf32, #tpu.memory_space<vmem_shared>>
      tpu.wait_dma2 semaphore(%run_scoped3A : memref<!tpu.dma_semaphore, #tpu.memory_space<semaphore_mem>>) src(%arg8 : memref<80x128xf32, #tpu.memory_space<vmem>>) dst(%dma_wait3A_54 : memref<80x128xf32, #tpu.memory_space<vmem_shared>>)
      tpu.yield
    }) : () -> ()
    %add3A_24 = arith.constant 560 : i32
    %add3A_25 = arith.addi %mul3A_4, %add3A_24 : i32
    "tpu.region"() ({
      %run_scoped3A = tpu.sem_alloc : memref<!tpu.dma_semaphore, #tpu.memory_space<semaphore_mem>>
      %dma_start3A = arith.constant 0 : i32
      %dma_start3A_49 = tpu.memref_slice %arg9[%add3A_25, %dma_start3A] : memref<10240x128xf32, #tpu.memory_space<vmem_shared>> -> memref<80x128xf32, #tpu.memory_space<vmem_shared>>
      %dma_start3A_50 = arith.constant 0 : i32
      %dma_start3A_51 = tpu.memref_slice %arg9[%add3A_25, %dma_start3A_50] : memref<10240x128xf32, #tpu.memory_space<vmem_shared>> -> memref<80x128xf32, #tpu.memory_space<vmem_shared>>
      tpu.enqueue_dma source(%arg8 : memref<80x128xf32, #tpu.memory_space<vmem>>) target(%dma_start3A_51 : memref<80x128xf32, #tpu.memory_space<vmem_shared>>) target_semaphore(%run_scoped3A : memref<!tpu.dma_semaphore, #tpu.memory_space<semaphore_mem>>)
      %dma_wait3A = arith.constant 0 : i32
      %dma_wait3A_52 = tpu.memref_slice %arg9[%add3A_25, %dma_wait3A] : memref<10240x128xf32, #tpu.memory_space<vmem_shared>> -> memref<80x128xf32, #tpu.memory_space<vmem_shared>>
      %dma_wait3A_53 = arith.constant 0 : i32
      %dma_wait3A_54 = tpu.memref_slice %arg9[%add3A_25, %dma_wait3A_53] : memref<10240x128xf32, #tpu.memory_space<vmem_shared>> -> memref<80x128xf32, #tpu.memory_space<vmem_shared>>
      tpu.wait_dma2 semaphore(%run_scoped3A : memref<!tpu.dma_semaphore, #tpu.memory_space<semaphore_mem>>) src(%arg8 : memref<80x128xf32, #tpu.memory_space<vmem>>) dst(%dma_wait3A_54 : memref<80x128xf32, #tpu.memory_space<vmem_shared>>)
      tpu.yield
    }) : () -> ()
    %barrier3A = arith.constant 0 : index
    tpu.barrier barrier_id(%barrier3A)
    %scan3A_26 = arith.constant 0 : i32
    %scan3A_27 = arith.constant 0 : i32
    %scan3A_28 = arith.constant 125 : i32
    %scan3A_29 = arith.addi %scan3A_27, %scan3A_28 : i32
    %scan3A_30 = arith.constant 1 : i32
    scf.for %scan3A_49 = %scan3A_27 to %scan3A_29 step %scan3A_30  : i32 {
      %mul3A_50 = arith.constant 80 : i32
      %mul3A_51 = arith.muli %scan3A_49, %mul3A_50 : i32
      %add3A_52 = arith.addi %mul3A_2, %mul3A_51 : i32
      "tpu.region"() ({
        %run_scoped3A = tpu.sem_alloc : memref<!tpu.dma_semaphore, #tpu.memory_space<semaphore_mem>>
        %dma_start3A_57 = tpu.memref_slice %arg3[%add3A_52] : memref<320000xi32, #tpu.memory_space<hbm>> -> memref<80xi32, #tpu.memory_space<hbm>>
        %dma_start3A_58 = tpu.memref_slice %arg3[%add3A_52] : memref<320000xi32, #tpu.memory_space<hbm>> -> memref<80xi32, #tpu.memory_space<hbm>>
        tpu.enqueue_dma source(%dma_start3A_58 : memref<80xi32, #tpu.memory_space<hbm>>) target(%arg6 : memref<80xi32, #tpu.memory_space<vmem>>) target_semaphore(%run_scoped3A : memref<!tpu.dma_semaphore, #tpu.memory_space<semaphore_mem>>)
        %dma_wait3A_59 = tpu.memref_slice %arg3[%add3A_52] : memref<320000xi32, #tpu.memory_space<hbm>> -> memref<80xi32, #tpu.memory_space<hbm>>
        %dma_wait3A_60 = tpu.memref_slice %arg3[%add3A_52] : memref<320000xi32, #tpu.memory_space<hbm>> -> memref<80xi32, #tpu.memory_space<hbm>>
        tpu.wait_dma2 semaphore(%run_scoped3A : memref<!tpu.dma_semaphore, #tpu.memory_space<semaphore_mem>>) src(%dma_wait3A_60 : memref<80xi32, #tpu.memory_space<hbm>>) dst(%arg6 : memref<80xi32, #tpu.memory_space<vmem>>)
        tpu.yield
      }) : () -> ()
      "tpu.region"() ({
        %run_scoped3A = tpu.sem_alloc : memref<!tpu.dma_semaphore, #tpu.memory_space<semaphore_mem>>
        %dma_start3A_57 = tpu.memref_slice %arg4[%add3A_52] : memref<320000xi32, #tpu.memory_space<hbm>> -> memref<80xi32, #tpu.memory_space<hbm>>
        %dma_start3A_58 = tpu.memref_slice %arg4[%add3A_52] : memref<320000xi32, #tpu.memory_space<hbm>> -> memref<80xi32, #tpu.memory_space<hbm>>
        tpu.enqueue_dma source(%dma_start3A_58 : memref<80xi32, #tpu.memory_space<hbm>>) target(%arg7 : memref<80xi32, #tpu.memory_space<vmem>>) target_semaphore(%run_scoped3A : memref<!tpu.dma_semaphore, #tpu.memory_space<semaphore_mem>>)
        %dma_wait3A_59 = tpu.memref_slice %arg4[%add3A_52] : memref<320000xi32, #tpu.memory_space<hbm>> -> memref<80xi32, #tpu.memory_space<hbm>>
        %dma_wait3A_60 = tpu.memref_slice %arg4[%add3A_52] : memref<320000xi32, #tpu.memory_space<hbm>> -> memref<80xi32, #tpu.memory_space<hbm>>
        tpu.wait_dma2 semaphore(%run_scoped3A : memref<!tpu.dma_semaphore, #tpu.memory_space<semaphore_mem>>) src(%dma_wait3A_60 : memref<80xi32, #tpu.memory_space<hbm>>) dst(%arg7 : memref<80xi32, #tpu.memory_space<vmem>>)
        tpu.yield
      }) : () -> ()
      %dma_start3A = arith.constant 0 : i32
      %dma_start3A_53 = arith.constant 0 : i32
      %dma_start3A_54 = tpu.memref_slice %arg2[%dma_start3A, %dma_start3A_53] : memref<10000x128xf32, #tpu.memory_space<hbm>> -> memref<10000x128xf32, #tpu.memory_space<hbm>>
      tpu.enqueue_indirect_dma source(%dma_start3A_54 : memref<10000x128xf32, #tpu.memory_space<hbm>>) target(%arg8 : memref<80x128xf32, #tpu.memory_space<vmem>>) offsets(%arg6 : memref<80xi32, #tpu.memory_space<vmem>>) semaphore(%arg10 : memref<!tpu.dma_semaphore, #tpu.memory_space<semaphore_mem>>)
      %dma_wait3A = arith.constant 0 : i32
      %dma_wait3A_55 = arith.constant 0 : i32
      %dma_wait3A_56 = tpu.memref_slice %arg2[%dma_wait3A, %dma_wait3A_55] : memref<10000x128xf32, #tpu.memory_space<hbm>> -> memref<10000x128xf32, #tpu.memory_space<hbm>>
      tpu.wait_indirect_dma semaphore(%arg10 : memref<!tpu.dma_semaphore, #tpu.memory_space<semaphore_mem>>) src(%dma_wait3A_56 : memref<10000x128xf32, #tpu.memory_space<hbm>>) dst(%arg8 : memref<80x128xf32, #tpu.memory_space<vmem>>)
      "tpu.region"() ({
        %run_scoped3A = tpu.sem_alloc : memref<!tpu.dma_semaphore, #tpu.memory_space<semaphore_mem>>
        %dma_start3A_57 = arith.constant 0 : i32
        %dma_start3A_58 = arith.constant 0 : i32
        %dma_start3A_59 = tpu.memref_slice %arg9[%dma_start3A_57, %dma_start3A_58] : memref<10240x128xf32, #tpu.memory_space<vmem_shared>> -> memref<10240x128xf32, #tpu.memory_space<vmem_shared>>
        tpu.enqueue_indirect_dma source(%arg8 : memref<80x128xf32, #tpu.memory_space<vmem>>) target(%dma_start3A_59 : memref<10240x128xf32, #tpu.memory_space<vmem_shared>>) offsets(%arg7 : memref<80xi32, #tpu.memory_space<vmem>>) semaphore(%run_scoped3A : memref<!tpu.dma_semaphore, #tpu.memory_space<semaphore_mem>>) {add = true}
        %dma_wait3A_60 = arith.constant 0 : i32
        %dma_wait3A_61 = arith.constant 0 : i32
        %dma_wait3A_62 = tpu.memref_slice %arg9[%dma_wait3A_60, %dma_wait3A_61] : memref<10240x128xf32, #tpu.memory_space<vmem_shared>> -> memref<10240x128xf32, #tpu.memory_space<vmem_shared>>
        tpu.wait_indirect_dma semaphore(%run_scoped3A : memref<!tpu.dma_semaphore, #tpu.memory_space<semaphore_mem>>) src(%arg8 : memref<80x128xf32, #tpu.memory_space<vmem>>) dst(%dma_wait3A_62 : memref<10240x128xf32, #tpu.memory_space<vmem_shared>>)
        tpu.yield
      }) : () -> ()
    }
    %scan3A_31 = arith.constant 125 : i32
    %barrier3A_32 = arith.constant 0 : index
    tpu.barrier barrier_id(%barrier3A_32)
    %add3A_33 = arith.constant 0 : i32
    %add3A_34 = arith.addi %mul3A_4, %add3A_33 : i32
    "tpu.region"() ({
      %run_scoped3A = tpu.sem_alloc : memref<!tpu.dma_semaphore, #tpu.memory_space<semaphore_mem>>
      %dma_start3A = arith.constant 0 : i32
      %dma_start3A_49 = tpu.memref_slice %arg9[%add3A_34, %dma_start3A] : memref<10240x128xf32, #tpu.memory_space<vmem_shared>> -> memref<80x128xf32, #tpu.memory_space<vmem_shared>>
      %dma_start3A_50 = arith.constant 0 : i32
      %dma_start3A_51 = tpu.memref_slice %arg9[%add3A_34, %dma_start3A_50] : memref<10240x128xf32, #tpu.memory_space<vmem_shared>> -> memref<80x128xf32, #tpu.memory_space<vmem_shared>>
      tpu.enqueue_dma source(%dma_start3A_51 : memref<80x128xf32, #tpu.memory_space<vmem_shared>>) target(%arg8 : memref<80x128xf32, #tpu.memory_space<vmem>>) target_semaphore(%run_scoped3A : memref<!tpu.dma_semaphore, #tpu.memory_space<semaphore_mem>>)
      %dma_wait3A = arith.constant 0 : i32
      %dma_wait3A_52 = tpu.memref_slice %arg9[%add3A_34, %dma_wait3A] : memref<10240x128xf32, #tpu.memory_space<vmem_shared>> -> memref<80x128xf32, #tpu.memory_space<vmem_shared>>
      %dma_wait3A_53 = arith.constant 0 : i32
      %dma_wait3A_54 = tpu.memref_slice %arg9[%add3A_34, %dma_wait3A_53] : memref<10240x128xf32, #tpu.memory_space<vmem_shared>> -> memref<80x128xf32, #tpu.memory_space<vmem_shared>>
      tpu.wait_dma2 semaphore(%run_scoped3A : memref<!tpu.dma_semaphore, #tpu.memory_space<semaphore_mem>>) src(%dma_wait3A_54 : memref<80x128xf32, #tpu.memory_space<vmem_shared>>) dst(%arg8 : memref<80x128xf32, #tpu.memory_space<vmem>>)
      tpu.yield
    }) : () -> ()
    "tpu.region"() ({
      %run_scoped3A = tpu.sem_alloc : memref<!tpu.dma_semaphore, #tpu.memory_space<semaphore_mem>>
      %dma_start3A = arith.constant 0 : i32
      %dma_start3A_49 = tpu.memref_slice %arg5[%arg0, %add3A_34, %dma_start3A] : memref<2x10240x128xf32, #tpu.memory_space<hbm>> -> memref<1x80x128xf32, #tpu.memory_space<hbm>>
      %dma_start3A_50 = tpu.memref_squeeze %dma_start3A_49 : memref<1x80x128xf32, #tpu.memory_space<hbm>> -> memref<80x128xf32, #tpu.memory_space<hbm>>
      %dma_start3A_51 = arith.constant 0 : i32
      %dma_start3A_52 = tpu.memref_slice %arg5[%arg0, %add3A_34, %dma_start3A_51] : memref<2x10240x128xf32, #tpu.memory_space<hbm>> -> memref<1x80x128xf32, #tpu.memory_space<hbm>>
      %dma_start3A_53 = tpu.memref_squeeze %dma_start3A_52 : memref<1x80x128xf32, #tpu.memory_space<hbm>> -> memref<80x128xf32, #tpu.memory_space<hbm>>
      tpu.enqueue_dma source(%arg8 : memref<80x128xf32, #tpu.memory_space<vmem>>) target(%dma_start3A_53 : memref<80x128xf32, #tpu.memory_space<hbm>>) target_semaphore(%run_scoped3A : memref<!tpu.dma_semaphore, #tpu.memory_space<semaphore_mem>>)
      %dma_wait3A = arith.constant 0 : i32
      %dma_wait3A_54 = tpu.memref_slice %arg5[%arg0, %add3A_34, %dma_wait3A] : memref<2x10240x128xf32, #tpu.memory_space<hbm>> -> memref<1x80x128xf32, #tpu.memory_space<hbm>>
      %dma_wait3A_55 = tpu.memref_squeeze %dma_wait3A_54 : memref<1x80x128xf32, #tpu.memory_space<hbm>> -> memref<80x128xf32, #tpu.memory_space<hbm>>
      %dma_wait3A_56 = arith.constant 0 : i32
      %dma_wait3A_57 = tpu.memref_slice %arg5[%arg0, %add3A_34, %dma_wait3A_56] : memref<2x10240x128xf32, #tpu.memory_space<hbm>> -> memref<1x80x128xf32, #tpu.memory_space<hbm>>
      %dma_wait3A_58 = tpu.memref_squeeze %dma_wait3A_57 : memref<1x80x128xf32, #tpu.memory_space<hbm>> -> memref<80x128xf32, #tpu.memory_space<hbm>>
      tpu.wait_dma2 semaphore(%run_scoped3A : memref<!tpu.dma_semaphore, #tpu.memory_space<semaphore_mem>>) src(%arg8 : memref<80x128xf32, #tpu.memory_space<vmem>>) dst(%dma_wait3A_58 : memref<80x128xf32, #tpu.memory_space<hbm>>)
      tpu.yield
    }) : () -> ()
    %add3A_35 = arith.constant 80 : i32
    %add3A_36 = arith.addi %mul3A_4, %add3A_35 : i32
    "tpu.region"() ({
      %run_scoped3A = tpu.sem_alloc : memref<!tpu.dma_semaphore, #tpu.memory_space<semaphore_mem>>
      %dma_start3A = arith.constant 0 : i32
      %dma_start3A_49 = tpu.memref_slice %arg9[%add3A_36, %dma_start3A] : memref<10240x128xf32, #tpu.memory_space<vmem_shared>> -> memref<80x128xf32, #tpu.memory_space<vmem_shared>>
      %dma_start3A_50 = arith.constant 0 : i32
      %dma_start3A_51 = tpu.memref_slice %arg9[%add3A_36, %dma_start3A_50] : memref<10240x128xf32, #tpu.memory_space<vmem_shared>> -> memref<80x128xf32, #tpu.memory_space<vmem_shared>>
      tpu.enqueue_dma source(%dma_start3A_51 : memref<80x128xf32, #tpu.memory_space<vmem_shared>>) target(%arg8 : memref<80x128xf32, #tpu.memory_space<vmem>>) target_semaphore(%run_scoped3A : memref<!tpu.dma_semaphore, #tpu.memory_space<semaphore_mem>>)
      %dma_wait3A = arith.constant 0 : i32
      %dma_wait3A_52 = tpu.memref_slice %arg9[%add3A_36, %dma_wait3A] : memref<10240x128xf32, #tpu.memory_space<vmem_shared>> -> memref<80x128xf32, #tpu.memory_space<vmem_shared>>
      %dma_wait3A_53 = arith.constant 0 : i32
      %dma_wait3A_54 = tpu.memref_slice %arg9[%add3A_36, %dma_wait3A_53] : memref<10240x128xf32, #tpu.memory_space<vmem_shared>> -> memref<80x128xf32, #tpu.memory_space<vmem_shared>>
      tpu.wait_dma2 semaphore(%run_scoped3A : memref<!tpu.dma_semaphore, #tpu.memory_space<semaphore_mem>>) src(%dma_wait3A_54 : memref<80x128xf32, #tpu.memory_space<vmem_shared>>) dst(%arg8 : memref<80x128xf32, #tpu.memory_space<vmem>>)
      tpu.yield
    }) : () -> ()
    "tpu.region"() ({
      %run_scoped3A = tpu.sem_alloc : memref<!tpu.dma_semaphore, #tpu.memory_space<semaphore_mem>>
      %dma_start3A = arith.constant 0 : i32
      %dma_start3A_49 = tpu.memref_slice %arg5[%arg0, %add3A_36, %dma_start3A] : memref<2x10240x128xf32, #tpu.memory_space<hbm>> -> memref<1x80x128xf32, #tpu.memory_space<hbm>>
      %dma_start3A_50 = tpu.memref_squeeze %dma_start3A_49 : memref<1x80x128xf32, #tpu.memory_space<hbm>> -> memref<80x128xf32, #tpu.memory_space<hbm>>
      %dma_start3A_51 = arith.constant 0 : i32
      %dma_start3A_52 = tpu.memref_slice %arg5[%arg0, %add3A_36, %dma_start3A_51] : memref<2x10240x128xf32, #tpu.memory_space<hbm>> -> memref<1x80x128xf32, #tpu.memory_space<hbm>>
      %dma_start3A_53 = tpu.memref_squeeze %dma_start3A_52 : memref<1x80x128xf32, #tpu.memory_space<hbm>> -> memref<80x128xf32, #tpu.memory_space<hbm>>
      tpu.enqueue_dma source(%arg8 : memref<80x128xf32, #tpu.memory_space<vmem>>) target(%dma_start3A_53 : memref<80x128xf32, #tpu.memory_space<hbm>>) target_semaphore(%run_scoped3A : memref<!tpu.dma_semaphore, #tpu.memory_space<semaphore_mem>>)
      %dma_wait3A = arith.constant 0 : i32
      %dma_wait3A_54 = tpu.memref_slice %arg5[%arg0, %add3A_36, %dma_wait3A] : memref<2x10240x128xf32, #tpu.memory_space<hbm>> -> memref<1x80x128xf32, #tpu.memory_space<hbm>>
      %dma_wait3A_55 = tpu.memref_squeeze %dma_wait3A_54 : memref<1x80x128xf32, #tpu.memory_space<hbm>> -> memref<80x128xf32, #tpu.memory_space<hbm>>
      %dma_wait3A_56 = arith.constant 0 : i32
      %dma_wait3A_57 = tpu.memref_slice %arg5[%arg0, %add3A_36, %dma_wait3A_56] : memref<2x10240x128xf32, #tpu.memory_space<hbm>> -> memref<1x80x128xf32, #tpu.memory_space<hbm>>
      %dma_wait3A_58 = tpu.memref_squeeze %dma_wait3A_57 : memref<1x80x128xf32, #tpu.memory_space<hbm>> -> memref<80x128xf32, #tpu.memory_space<hbm>>
      tpu.wait_dma2 semaphore(%run_scoped3A : memref<!tpu.dma_semaphore, #tpu.memory_space<semaphore_mem>>) src(%arg8 : memref<80x128xf32, #tpu.memory_space<vmem>>) dst(%dma_wait3A_58 : memref<80x128xf32, #tpu.memory_space<hbm>>)
      tpu.yield
    }) : () -> ()
    %add3A_37 = arith.constant 160 : i32
    %add3A_38 = arith.addi %mul3A_4, %add3A_37 : i32
    "tpu.region"() ({
      %run_scoped3A = tpu.sem_alloc : memref<!tpu.dma_semaphore, #tpu.memory_space<semaphore_mem>>
      %dma_start3A = arith.constant 0 : i32
      %dma_start3A_49 = tpu.memref_slice %arg9[%add3A_38, %dma_start3A] : memref<10240x128xf32, #tpu.memory_space<vmem_shared>> -> memref<80x128xf32, #tpu.memory_space<vmem_shared>>
      %dma_start3A_50 = arith.constant 0 : i32
      %dma_start3A_51 = tpu.memref_slice %arg9[%add3A_38, %dma_start3A_50] : memref<10240x128xf32, #tpu.memory_space<vmem_shared>> -> memref<80x128xf32, #tpu.memory_space<vmem_shared>>
      tpu.enqueue_dma source(%dma_start3A_51 : memref<80x128xf32, #tpu.memory_space<vmem_shared>>) target(%arg8 : memref<80x128xf32, #tpu.memory_space<vmem>>) target_semaphore(%run_scoped3A : memref<!tpu.dma_semaphore, #tpu.memory_space<semaphore_mem>>)
      %dma_wait3A = arith.constant 0 : i32
      %dma_wait3A_52 = tpu.memref_slice %arg9[%add3A_38, %dma_wait3A] : memref<10240x128xf32, #tpu.memory_space<vmem_shared>> -> memref<80x128xf32, #tpu.memory_space<vmem_shared>>
      %dma_wait3A_53 = arith.constant 0 : i32
      %dma_wait3A_54 = tpu.memref_slice %arg9[%add3A_38, %dma_wait3A_53] : memref<10240x128xf32, #tpu.memory_space<vmem_shared>> -> memref<80x128xf32, #tpu.memory_space<vmem_shared>>
      tpu.wait_dma2 semaphore(%run_scoped3A : memref<!tpu.dma_semaphore, #tpu.memory_space<semaphore_mem>>) src(%dma_wait3A_54 : memref<80x128xf32, #tpu.memory_space<vmem_shared>>) dst(%arg8 : memref<80x128xf32, #tpu.memory_space<vmem>>)
      tpu.yield
    }) : () -> ()
    "tpu.region"() ({
      %run_scoped3A = tpu.sem_alloc : memref<!tpu.dma_semaphore, #tpu.memory_space<semaphore_mem>>
      %dma_start3A = arith.constant 0 : i32
      %dma_start3A_49 = tpu.memref_slice %arg5[%arg0, %add3A_38, %dma_start3A] : memref<2x10240x128xf32, #tpu.memory_space<hbm>> -> memref<1x80x128xf32, #tpu.memory_space<hbm>>
      %dma_start3A_50 = tpu.memref_squeeze %dma_start3A_49 : memref<1x80x128xf32, #tpu.memory_space<hbm>> -> memref<80x128xf32, #tpu.memory_space<hbm>>
      %dma_start3A_51 = arith.constant 0 : i32
      %dma_start3A_52 = tpu.memref_slice %arg5[%arg0, %add3A_38, %dma_start3A_51] : memref<2x10240x128xf32, #tpu.memory_space<hbm>> -> memref<1x80x128xf32, #tpu.memory_space<hbm>>
      %dma_start3A_53 = tpu.memref_squeeze %dma_start3A_52 : memref<1x80x128xf32, #tpu.memory_space<hbm>> -> memref<80x128xf32, #tpu.memory_space<hbm>>
      tpu.enqueue_dma source(%arg8 : memref<80x128xf32, #tpu.memory_space<vmem>>) target(%dma_start3A_53 : memref<80x128xf32, #tpu.memory_space<hbm>>) target_semaphore(%run_scoped3A : memref<!tpu.dma_semaphore, #tpu.memory_space<semaphore_mem>>)
      %dma_wait3A = arith.constant 0 : i32
      %dma_wait3A_54 = tpu.memref_slice %arg5[%arg0, %add3A_38, %dma_wait3A] : memref<2x10240x128xf32, #tpu.memory_space<hbm>> -> memref<1x80x128xf32, #tpu.memory_space<hbm>>
      %dma_wait3A_55 = tpu.memref_squeeze %dma_wait3A_54 : memref<1x80x128xf32, #tpu.memory_space<hbm>> -> memref<80x128xf32, #tpu.memory_space<hbm>>
      %dma_wait3A_56 = arith.constant 0 : i32
      %dma_wait3A_57 = tpu.memref_slice %arg5[%arg0, %add3A_38, %dma_wait3A_56] : memref<2x10240x128xf32, #tpu.memory_space<hbm>> -> memref<1x80x128xf32, #tpu.memory_space<hbm>>
      %dma_wait3A_58 = tpu.memref_squeeze %dma_wait3A_57 : memref<1x80x128xf32, #tpu.memory_space<hbm>> -> memref<80x128xf32, #tpu.memory_space<hbm>>
      tpu.wait_dma2 semaphore(%run_scoped3A : memref<!tpu.dma_semaphore, #tpu.memory_space<semaphore_mem>>) src(%arg8 : memref<80x128xf32, #tpu.memory_space<vmem>>) dst(%dma_wait3A_58 : memref<80x128xf32, #tpu.memory_space<hbm>>)
      tpu.yield
    }) : () -> ()
    %add3A_39 = arith.constant 240 : i32
    %add3A_40 = arith.addi %mul3A_4, %add3A_39 : i32
    "tpu.region"() ({
      %run_scoped3A = tpu.sem_alloc : memref<!tpu.dma_semaphore, #tpu.memory_space<semaphore_mem>>
      %dma_start3A = arith.constant 0 : i32
      %dma_start3A_49 = tpu.memref_slice %arg9[%add3A_40, %dma_start3A] : memref<10240x128xf32, #tpu.memory_space<vmem_shared>> -> memref<80x128xf32, #tpu.memory_space<vmem_shared>>
      %dma_start3A_50 = arith.constant 0 : i32
      %dma_start3A_51 = tpu.memref_slice %arg9[%add3A_40, %dma_start3A_50] : memref<10240x128xf32, #tpu.memory_space<vmem_shared>> -> memref<80x128xf32, #tpu.memory_space<vmem_shared>>
      tpu.enqueue_dma source(%dma_start3A_51 : memref<80x128xf32, #tpu.memory_space<vmem_shared>>) target(%arg8 : memref<80x128xf32, #tpu.memory_space<vmem>>) target_semaphore(%run_scoped3A : memref<!tpu.dma_semaphore, #tpu.memory_space<semaphore_mem>>)
      %dma_wait3A = arith.constant 0 : i32
      %dma_wait3A_52 = tpu.memref_slice %arg9[%add3A_40, %dma_wait3A] : memref<10240x128xf32, #tpu.memory_space<vmem_shared>> -> memref<80x128xf32, #tpu.memory_space<vmem_shared>>
      %dma_wait3A_53 = arith.constant 0 : i32
      %dma_wait3A_54 = tpu.memref_slice %arg9[%add3A_40, %dma_wait3A_53] : memref<10240x128xf32, #tpu.memory_space<vmem_shared>> -> memref<80x128xf32, #tpu.memory_space<vmem_shared>>
      tpu.wait_dma2 semaphore(%run_scoped3A : memref<!tpu.dma_semaphore, #tpu.memory_space<semaphore_mem>>) src(%dma_wait3A_54 : memref<80x128xf32, #tpu.memory_space<vmem_shared>>) dst(%arg8 : memref<80x128xf32, #tpu.memory_space<vmem>>)
      tpu.yield
    }) : () -> ()
    "tpu.region"() ({
      %run_scoped3A = tpu.sem_alloc : memref<!tpu.dma_semaphore, #tpu.memory_space<semaphore_mem>>
      %dma_start3A = arith.constant 0 : i32
      %dma_start3A_49 = tpu.memref_slice %arg5[%arg0, %add3A_40, %dma_start3A] : memref<2x10240x128xf32, #tpu.memory_space<hbm>> -> memref<1x80x128xf32, #tpu.memory_space<hbm>>
      %dma_start3A_50 = tpu.memref_squeeze %dma_start3A_49 : memref<1x80x128xf32, #tpu.memory_space<hbm>> -> memref<80x128xf32, #tpu.memory_space<hbm>>
      %dma_start3A_51 = arith.constant 0 : i32
      %dma_start3A_52 = tpu.memref_slice %arg5[%arg0, %add3A_40, %dma_start3A_51] : memref<2x10240x128xf32, #tpu.memory_space<hbm>> -> memref<1x80x128xf32, #tpu.memory_space<hbm>>
      %dma_start3A_53 = tpu.memref_squeeze %dma_start3A_52 : memref<1x80x128xf32, #tpu.memory_space<hbm>> -> memref<80x128xf32, #tpu.memory_space<hbm>>
      tpu.enqueue_dma source(%arg8 : memref<80x128xf32, #tpu.memory_space<vmem>>) target(%dma_start3A_53 : memref<80x128xf32, #tpu.memory_space<hbm>>) target_semaphore(%run_scoped3A : memref<!tpu.dma_semaphore, #tpu.memory_space<semaphore_mem>>)
      %dma_wait3A = arith.constant 0 : i32
      %dma_wait3A_54 = tpu.memref_slice %arg5[%arg0, %add3A_40, %dma_wait3A] : memref<2x10240x128xf32, #tpu.memory_space<hbm>> -> memref<1x80x128xf32, #tpu.memory_space<hbm>>
      %dma_wait3A_55 = tpu.memref_squeeze %dma_wait3A_54 : memref<1x80x128xf32, #tpu.memory_space<hbm>> -> memref<80x128xf32, #tpu.memory_space<hbm>>
      %dma_wait3A_56 = arith.constant 0 : i32
      %dma_wait3A_57 = tpu.memref_slice %arg5[%arg0, %add3A_40, %dma_wait3A_56] : memref<2x10240x128xf32, #tpu.memory_space<hbm>> -> memref<1x80x128xf32, #tpu.memory_space<hbm>>
      %dma_wait3A_58 = tpu.memref_squeeze %dma_wait3A_57 : memref<1x80x128xf32, #tpu.memory_space<hbm>> -> memref<80x128xf32, #tpu.memory_space<hbm>>
      tpu.wait_dma2 semaphore(%run_scoped3A : memref<!tpu.dma_semaphore, #tpu.memory_space<semaphore_mem>>) src(%arg8 : memref<80x128xf32, #tpu.memory_space<vmem>>) dst(%dma_wait3A_58 : memref<80x128xf32, #tpu.memory_space<hbm>>)
      tpu.yield
    }) : () -> ()
    %add3A_41 = arith.constant 320 : i32
    %add3A_42 = arith.addi %mul3A_4, %add3A_41 : i32
    "tpu.region"() ({
      %run_scoped3A = tpu.sem_alloc : memref<!tpu.dma_semaphore, #tpu.memory_space<semaphore_mem>>
      %dma_start3A = arith.constant 0 : i32
      %dma_start3A_49 = tpu.memref_slice %arg9[%add3A_42, %dma_start3A] : memref<10240x128xf32, #tpu.memory_space<vmem_shared>> -> memref<80x128xf32, #tpu.memory_space<vmem_shared>>
      %dma_start3A_50 = arith.constant 0 : i32
      %dma_start3A_51 = tpu.memref_slice %arg9[%add3A_42, %dma_start3A_50] : memref<10240x128xf32, #tpu.memory_space<vmem_shared>> -> memref<80x128xf32, #tpu.memory_space<vmem_shared>>
      tpu.enqueue_dma source(%dma_start3A_51 : memref<80x128xf32, #tpu.memory_space<vmem_shared>>) target(%arg8 : memref<80x128xf32, #tpu.memory_space<vmem>>) target_semaphore(%run_scoped3A : memref<!tpu.dma_semaphore, #tpu.memory_space<semaphore_mem>>)
      %dma_wait3A = arith.constant 0 : i32
      %dma_wait3A_52 = tpu.memref_slice %arg9[%add3A_42, %dma_wait3A] : memref<10240x128xf32, #tpu.memory_space<vmem_shared>> -> memref<80x128xf32, #tpu.memory_space<vmem_shared>>
      %dma_wait3A_53 = arith.constant 0 : i32
      %dma_wait3A_54 = tpu.memref_slice %arg9[%add3A_42, %dma_wait3A_53] : memref<10240x128xf32, #tpu.memory_space<vmem_shared>> -> memref<80x128xf32, #tpu.memory_space<vmem_shared>>
      tpu.wait_dma2 semaphore(%run_scoped3A : memref<!tpu.dma_semaphore, #tpu.memory_space<semaphore_mem>>) src(%dma_wait3A_54 : memref<80x128xf32, #tpu.memory_space<vmem_shared>>) dst(%arg8 : memref<80x128xf32, #tpu.memory_space<vmem>>)
      tpu.yield
    }) : () -> ()
    "tpu.region"() ({
      %run_scoped3A = tpu.sem_alloc : memref<!tpu.dma_semaphore, #tpu.memory_space<semaphore_mem>>
      %dma_start3A = arith.constant 0 : i32
      %dma_start3A_49 = tpu.memref_slice %arg5[%arg0, %add3A_42, %dma_start3A] : memref<2x10240x128xf32, #tpu.memory_space<hbm>> -> memref<1x80x128xf32, #tpu.memory_space<hbm>>
      %dma_start3A_50 = tpu.memref_squeeze %dma_start3A_49 : memref<1x80x128xf32, #tpu.memory_space<hbm>> -> memref<80x128xf32, #tpu.memory_space<hbm>>
      %dma_start3A_51 = arith.constant 0 : i32
      %dma_start3A_52 = tpu.memref_slice %arg5[%arg0, %add3A_42, %dma_start3A_51] : memref<2x10240x128xf32, #tpu.memory_space<hbm>> -> memref<1x80x128xf32, #tpu.memory_space<hbm>>
      %dma_start3A_53 = tpu.memref_squeeze %dma_start3A_52 : memref<1x80x128xf32, #tpu.memory_space<hbm>> -> memref<80x128xf32, #tpu.memory_space<hbm>>
      tpu.enqueue_dma source(%arg8 : memref<80x128xf32, #tpu.memory_space<vmem>>) target(%dma_start3A_53 : memref<80x128xf32, #tpu.memory_space<hbm>>) target_semaphore(%run_scoped3A : memref<!tpu.dma_semaphore, #tpu.memory_space<semaphore_mem>>)
      %dma_wait3A = arith.constant 0 : i32
      %dma_wait3A_54 = tpu.memref_slice %arg5[%arg0, %add3A_42, %dma_wait3A] : memref<2x10240x128xf32, #tpu.memory_space<hbm>> -> memref<1x80x128xf32, #tpu.memory_space<hbm>>
      %dma_wait3A_55 = tpu.memref_squeeze %dma_wait3A_54 : memref<1x80x128xf32, #tpu.memory_space<hbm>> -> memref<80x128xf32, #tpu.memory_space<hbm>>
      %dma_wait3A_56 = arith.constant 0 : i32
      %dma_wait3A_57 = tpu.memref_slice %arg5[%arg0, %add3A_42, %dma_wait3A_56] : memref<2x10240x128xf32, #tpu.memory_space<hbm>> -> memref<1x80x128xf32, #tpu.memory_space<hbm>>
      %dma_wait3A_58 = tpu.memref_squeeze %dma_wait3A_57 : memref<1x80x128xf32, #tpu.memory_space<hbm>> -> memref<80x128xf32, #tpu.memory_space<hbm>>
      tpu.wait_dma2 semaphore(%run_scoped3A : memref<!tpu.dma_semaphore, #tpu.memory_space<semaphore_mem>>) src(%arg8 : memref<80x128xf32, #tpu.memory_space<vmem>>) dst(%dma_wait3A_58 : memref<80x128xf32, #tpu.memory_space<hbm>>)
      tpu.yield
    }) : () -> ()
    %add3A_43 = arith.constant 400 : i32
    %add3A_44 = arith.addi %mul3A_4, %add3A_43 : i32
    "tpu.region"() ({
      %run_scoped3A = tpu.sem_alloc : memref<!tpu.dma_semaphore, #tpu.memory_space<semaphore_mem>>
      %dma_start3A = arith.constant 0 : i32
      %dma_start3A_49 = tpu.memref_slice %arg9[%add3A_44, %dma_start3A] : memref<10240x128xf32, #tpu.memory_space<vmem_shared>> -> memref<80x128xf32, #tpu.memory_space<vmem_shared>>
      %dma_start3A_50 = arith.constant 0 : i32
      %dma_start3A_51 = tpu.memref_slice %arg9[%add3A_44, %dma_start3A_50] : memref<10240x128xf32, #tpu.memory_space<vmem_shared>> -> memref<80x128xf32, #tpu.memory_space<vmem_shared>>
      tpu.enqueue_dma source(%dma_start3A_51 : memref<80x128xf32, #tpu.memory_space<vmem_shared>>) target(%arg8 : memref<80x128xf32, #tpu.memory_space<vmem>>) target_semaphore(%run_scoped3A : memref<!tpu.dma_semaphore, #tpu.memory_space<semaphore_mem>>)
      %dma_wait3A = arith.constant 0 : i32
      %dma_wait3A_52 = tpu.memref_slice %arg9[%add3A_44, %dma_wait3A] : memref<10240x128xf32, #tpu.memory_space<vmem_shared>> -> memref<80x128xf32, #tpu.memory_space<vmem_shared>>
      %dma_wait3A_53 = arith.constant 0 : i32
      %dma_wait3A_54 = tpu.memref_slice %arg9[%add3A_44, %dma_wait3A_53] : memref<10240x128xf32, #tpu.memory_space<vmem_shared>> -> memref<80x128xf32, #tpu.memory_space<vmem_shared>>
      tpu.wait_dma2 semaphore(%run_scoped3A : memref<!tpu.dma_semaphore, #tpu.memory_space<semaphore_mem>>) src(%dma_wait3A_54 : memref<80x128xf32, #tpu.memory_space<vmem_shared>>) dst(%arg8 : memref<80x128xf32, #tpu.memory_space<vmem>>)
      tpu.yield
    }) : () -> ()
    "tpu.region"() ({
      %run_scoped3A = tpu.sem_alloc : memref<!tpu.dma_semaphore, #tpu.memory_space<semaphore_mem>>
      %dma_start3A = arith.constant 0 : i32
      %dma_start3A_49 = tpu.memref_slice %arg5[%arg0, %add3A_44, %dma_start3A] : memref<2x10240x128xf32, #tpu.memory_space<hbm>> -> memref<1x80x128xf32, #tpu.memory_space<hbm>>
      %dma_start3A_50 = tpu.memref_squeeze %dma_start3A_49 : memref<1x80x128xf32, #tpu.memory_space<hbm>> -> memref<80x128xf32, #tpu.memory_space<hbm>>
      %dma_start3A_51 = arith.constant 0 : i32
      %dma_start3A_52 = tpu.memref_slice %arg5[%arg0, %add3A_44, %dma_start3A_51] : memref<2x10240x128xf32, #tpu.memory_space<hbm>> -> memref<1x80x128xf32, #tpu.memory_space<hbm>>
      %dma_start3A_53 = tpu.memref_squeeze %dma_start3A_52 : memref<1x80x128xf32, #tpu.memory_space<hbm>> -> memref<80x128xf32, #tpu.memory_space<hbm>>
      tpu.enqueue_dma source(%arg8 : memref<80x128xf32, #tpu.memory_space<vmem>>) target(%dma_start3A_53 : memref<80x128xf32, #tpu.memory_space<hbm>>) target_semaphore(%run_scoped3A : memref<!tpu.dma_semaphore, #tpu.memory_space<semaphore_mem>>)
      %dma_wait3A = arith.constant 0 : i32
      %dma_wait3A_54 = tpu.memref_slice %arg5[%arg0, %add3A_44, %dma_wait3A] : memref<2x10240x128xf32, #tpu.memory_space<hbm>> -> memref<1x80x128xf32, #tpu.memory_space<hbm>>
      %dma_wait3A_55 = tpu.memref_squeeze %dma_wait3A_54 : memref<1x80x128xf32, #tpu.memory_space<hbm>> -> memref<80x128xf32, #tpu.memory_space<hbm>>
      %dma_wait3A_56 = arith.constant 0 : i32
      %dma_wait3A_57 = tpu.memref_slice %arg5[%arg0, %add3A_44, %dma_wait3A_56] : memref<2x10240x128xf32, #tpu.memory_space<hbm>> -> memref<1x80x128xf32, #tpu.memory_space<hbm>>
      %dma_wait3A_58 = tpu.memref_squeeze %dma_wait3A_57 : memref<1x80x128xf32, #tpu.memory_space<hbm>> -> memref<80x128xf32, #tpu.memory_space<hbm>>
      tpu.wait_dma2 semaphore(%run_scoped3A : memref<!tpu.dma_semaphore, #tpu.memory_space<semaphore_mem>>) src(%arg8 : memref<80x128xf32, #tpu.memory_space<vmem>>) dst(%dma_wait3A_58 : memref<80x128xf32, #tpu.memory_space<hbm>>)
      tpu.yield
    }) : () -> ()
    %add3A_45 = arith.constant 480 : i32
    %add3A_46 = arith.addi %mul3A_4, %add3A_45 : i32
    "tpu.region"() ({
      %run_scoped3A = tpu.sem_alloc : memref<!tpu.dma_semaphore, #tpu.memory_space<semaphore_mem>>
      %dma_start3A = arith.constant 0 : i32
      %dma_start3A_49 = tpu.memref_slice %arg9[%add3A_46, %dma_start3A] : memref<10240x128xf32, #tpu.memory_space<vmem_shared>> -> memref<80x128xf32, #tpu.memory_space<vmem_shared>>
      %dma_start3A_50 = arith.constant 0 : i32
      %dma_start3A_51 = tpu.memref_slice %arg9[%add3A_46, %dma_start3A_50] : memref<10240x128xf32, #tpu.memory_space<vmem_shared>> -> memref<80x128xf32, #tpu.memory_space<vmem_shared>>
      tpu.enqueue_dma source(%dma_start3A_51 : memref<80x128xf32, #tpu.memory_space<vmem_shared>>) target(%arg8 : memref<80x128xf32, #tpu.memory_space<vmem>>) target_semaphore(%run_scoped3A : memref<!tpu.dma_semaphore, #tpu.memory_space<semaphore_mem>>)
      %dma_wait3A = arith.constant 0 : i32
      %dma_wait3A_52 = tpu.memref_slice %arg9[%add3A_46, %dma_wait3A] : memref<10240x128xf32, #tpu.memory_space<vmem_shared>> -> memref<80x128xf32, #tpu.memory_space<vmem_shared>>
      %dma_wait3A_53 = arith.constant 0 : i32
      %dma_wait3A_54 = tpu.memref_slice %arg9[%add3A_46, %dma_wait3A_53] : memref<10240x128xf32, #tpu.memory_space<vmem_shared>> -> memref<80x128xf32, #tpu.memory_space<vmem_shared>>
      tpu.wait_dma2 semaphore(%run_scoped3A : memref<!tpu.dma_semaphore, #tpu.memory_space<semaphore_mem>>) src(%dma_wait3A_54 : memref<80x128xf32, #tpu.memory_space<vmem_shared>>) dst(%arg8 : memref<80x128xf32, #tpu.memory_space<vmem>>)
      tpu.yield
    }) : () -> ()
    "tpu.region"() ({
      %run_scoped3A = tpu.sem_alloc : memref<!tpu.dma_semaphore, #tpu.memory_space<semaphore_mem>>
      %dma_start3A = arith.constant 0 : i32
      %dma_start3A_49 = tpu.memref_slice %arg5[%arg0, %add3A_46, %dma_start3A] : memref<2x10240x128xf32, #tpu.memory_space<hbm>> -> memref<1x80x128xf32, #tpu.memory_space<hbm>>
      %dma_start3A_50 = tpu.memref_squeeze %dma_start3A_49 : memref<1x80x128xf32, #tpu.memory_space<hbm>> -> memref<80x128xf32, #tpu.memory_space<hbm>>
      %dma_start3A_51 = arith.constant 0 : i32
      %dma_start3A_52 = tpu.memref_slice %arg5[%arg0, %add3A_46, %dma_start3A_51] : memref<2x10240x128xf32, #tpu.memory_space<hbm>> -> memref<1x80x128xf32, #tpu.memory_space<hbm>>
      %dma_start3A_53 = tpu.memref_squeeze %dma_start3A_52 : memref<1x80x128xf32, #tpu.memory_space<hbm>> -> memref<80x128xf32, #tpu.memory_space<hbm>>
      tpu.enqueue_dma source(%arg8 : memref<80x128xf32, #tpu.memory_space<vmem>>) target(%dma_start3A_53 : memref<80x128xf32, #tpu.memory_space<hbm>>) target_semaphore(%run_scoped3A : memref<!tpu.dma_semaphore, #tpu.memory_space<semaphore_mem>>)
      %dma_wait3A = arith.constant 0 : i32
      %dma_wait3A_54 = tpu.memref_slice %arg5[%arg0, %add3A_46, %dma_wait3A] : memref<2x10240x128xf32, #tpu.memory_space<hbm>> -> memref<1x80x128xf32, #tpu.memory_space<hbm>>
      %dma_wait3A_55 = tpu.memref_squeeze %dma_wait3A_54 : memref<1x80x128xf32, #tpu.memory_space<hbm>> -> memref<80x128xf32, #tpu.memory_space<hbm>>
      %dma_wait3A_56 = arith.constant 0 : i32
      %dma_wait3A_57 = tpu.memref_slice %arg5[%arg0, %add3A_46, %dma_wait3A_56] : memref<2x10240x128xf32, #tpu.memory_space<hbm>> -> memref<1x80x128xf32, #tpu.memory_space<hbm>>
      %dma_wait3A_58 = tpu.memref_squeeze %dma_wait3A_57 : memref<1x80x128xf32, #tpu.memory_space<hbm>> -> memref<80x128xf32, #tpu.memory_space<hbm>>
      tpu.wait_dma2 semaphore(%run_scoped3A : memref<!tpu.dma_semaphore, #tpu.memory_space<semaphore_mem>>) src(%arg8 : memref<80x128xf32, #tpu.memory_space<vmem>>) dst(%dma_wait3A_58 : memref<80x128xf32, #tpu.memory_space<hbm>>)
      tpu.yield
    }) : () -> ()
    %add3A_47 = arith.constant 560 : i32
    %add3A_48 = arith.addi %mul3A_4, %add3A_47 : i32
    "tpu.region"() ({
      %run_scoped3A = tpu.sem_alloc : memref<!tpu.dma_semaphore, #tpu.memory_space<semaphore_mem>>
      %dma_start3A = arith.constant 0 : i32
      %dma_start3A_49 = tpu.memref_slice %arg9[%add3A_48, %dma_start3A] : memref<10240x128xf32, #tpu.memory_space<vmem_shared>> -> memref<80x128xf32, #tpu.memory_space<vmem_shared>>
      %dma_start3A_50 = arith.constant 0 : i32
      %dma_start3A_51 = tpu.memref_slice %arg9[%add3A_48, %dma_start3A_50] : memref<10240x128xf32, #tpu.memory_space<vmem_shared>> -> memref<80x128xf32, #tpu.memory_space<vmem_shared>>
      tpu.enqueue_dma source(%dma_start3A_51 : memref<80x128xf32, #tpu.memory_space<vmem_shared>>) target(%arg8 : memref<80x128xf32, #tpu.memory_space<vmem>>) target_semaphore(%run_scoped3A : memref<!tpu.dma_semaphore, #tpu.memory_space<semaphore_mem>>)
      %dma_wait3A = arith.constant 0 : i32
      %dma_wait3A_52 = tpu.memref_slice %arg9[%add3A_48, %dma_wait3A] : memref<10240x128xf32, #tpu.memory_space<vmem_shared>> -> memref<80x128xf32, #tpu.memory_space<vmem_shared>>
      %dma_wait3A_53 = arith.constant 0 : i32
      %dma_wait3A_54 = tpu.memref_slice %arg9[%add3A_48, %dma_wait3A_53] : memref<10240x128xf32, #tpu.memory_space<vmem_shared>> -> memref<80x128xf32, #tpu.memory_space<vmem_shared>>
      tpu.wait_dma2 semaphore(%run_scoped3A : memref<!tpu.dma_semaphore, #tpu.memory_space<semaphore_mem>>) src(%dma_wait3A_54 : memref<80x128xf32, #tpu.memory_space<vmem_shared>>) dst(%arg8 : memref<80x128xf32, #tpu.memory_space<vmem>>)
      tpu.yield
    }) : () -> ()
    "tpu.region"() ({
      %run_scoped3A = tpu.sem_alloc : memref<!tpu.dma_semaphore, #tpu.memory_space<semaphore_mem>>
      %dma_start3A = arith.constant 0 : i32
      %dma_start3A_49 = tpu.memref_slice %arg5[%arg0, %add3A_48, %dma_start3A] : memref<2x10240x128xf32, #tpu.memory_space<hbm>> -> memref<1x80x128xf32, #tpu.memory_space<hbm>>
      %dma_start3A_50 = tpu.memref_squeeze %dma_start3A_49 : memref<1x80x128xf32, #tpu.memory_space<hbm>> -> memref<80x128xf32, #tpu.memory_space<hbm>>
      %dma_start3A_51 = arith.constant 0 : i32
      %dma_start3A_52 = tpu.memref_slice %arg5[%arg0, %add3A_48, %dma_start3A_51] : memref<2x10240x128xf32, #tpu.memory_space<hbm>> -> memref<1x80x128xf32, #tpu.memory_space<hbm>>
      %dma_start3A_53 = tpu.memref_squeeze %dma_start3A_52 : memref<1x80x128xf32, #tpu.memory_space<hbm>> -> memref<80x128xf32, #tpu.memory_space<hbm>>
      tpu.enqueue_dma source(%arg8 : memref<80x128xf32, #tpu.memory_space<vmem>>) target(%dma_start3A_53 : memref<80x128xf32, #tpu.memory_space<hbm>>) target_semaphore(%run_scoped3A : memref<!tpu.dma_semaphore, #tpu.memory_space<semaphore_mem>>)
      %dma_wait3A = arith.constant 0 : i32
      %dma_wait3A_54 = tpu.memref_slice %arg5[%arg0, %add3A_48, %dma_wait3A] : memref<2x10240x128xf32, #tpu.memory_space<hbm>> -> memref<1x80x128xf32, #tpu.memory_space<hbm>>
      %dma_wait3A_55 = tpu.memref_squeeze %dma_wait3A_54 : memref<1x80x128xf32, #tpu.memory_space<hbm>> -> memref<80x128xf32, #tpu.memory_space<hbm>>
      %dma_wait3A_56 = arith.constant 0 : i32
      %dma_wait3A_57 = tpu.memref_slice %arg5[%arg0, %add3A_48, %dma_wait3A_56] : memref<2x10240x128xf32, #tpu.memory_space<hbm>> -> memref<1x80x128xf32, #tpu.memory_space<hbm>>
      %dma_wait3A_58 = tpu.memref_squeeze %dma_wait3A_57 : memref<1x80x128xf32, #tpu.memory_space<hbm>> -> memref<80x128xf32, #tpu.memory_space<hbm>>
      tpu.wait_dma2 semaphore(%run_scoped3A : memref<!tpu.dma_semaphore, #tpu.memory_space<semaphore_mem>>) src(%arg8 : memref<80x128xf32, #tpu.memory_space<vmem>>) dst(%dma_wait3A_58 : memref<80x128xf32, #tpu.memory_space<hbm>>)
      tpu.yield
    }) : () -> ()
    return
  }
}

#map = affine_map<(d0, d1) -> (0, 0)>
#map1 = affine_map<(d0, d1) -> (0)>
#map2 = affine_map<(d0, d1) -> (0, 0, 0)>
module attributes {stable_mosaic.version = 14 : i64} {
  func.func @agg(%arg0: i32, %arg1: i32, %arg2: memref<10000x128xf32, #tpu.memory_space<hbm>>, %arg3: memref<320000xi32, #tpu.memory_space<hbm>>, %arg4: memref<320000xi32, #tpu.memory_space<hbm>>, %arg5: memref<2x10240x128xf32, #tpu.memory_space<hbm>>, %arg6: memref<2x10240xf32, #tpu.memory_space<hbm>>, %arg7: memref<80xi32, #tpu.memory_space<vmem>>, %arg8: memref<80xi32, #tpu.memory_space<vmem>>, %arg9: memref<80x128xf32, #tpu.memory_space<vmem>>, %arg10: memref<10240x128xf32, #tpu.memory_space<vmem_shared>>, %arg11: memref<!tpu.dma_semaphore, #tpu.memory_space<semaphore_mem>>, %arg12: memref<80xf32, #tpu.memory_space<vmem>>, %arg13: memref<640xf32, #tpu.memory_space<vmem>>, %arg14: memref<10240xf32, #tpu.memory_space<vmem_shared>>) attributes {dimension_semantics = [#tpu.dimension_semantics<core_parallel>, #tpu.dimension_semantics<subcore_parallel>], iteration_bounds = array<i64: 2, 16>, scalar_prefetch = 0 : i64, scratch_operands = 8 : i64, tpu.core_type = #tpu.core_type<sc_vector_subcore>, window_params = [{transform_indices = #map}, {transform_indices = #map1}, {transform_indices = #map1}, {transform_indices = #map2}, {transform_indices = #map}]} {
    %mul3A = arith.constant 2 : i32
    %mul3A_0 = arith.muli %arg1, %mul3A : i32
    %add3A = arith.addi %mul3A_0, %arg0 : i32
    %mul3A_1 = arith.constant 10000 : i32
    %mul3A_2 = arith.muli %add3A, %mul3A_1 : i32
    %mul3A_3 = arith.constant 640 : i32
    %mul3A_4 = arith.muli %arg1, %mul3A_3 : i32
    %scan3A = arith.constant 0 : i32
    %scan3A_5 = arith.constant 0 : i32
    %scan3A_6 = arith.constant 80 : i32
    %scan3A_7 = arith.addi %scan3A_5, %scan3A_6 : i32
    %scan3A_8 = arith.constant 1 : i32
    scf.for %scan3A_83 = %scan3A_5 to %scan3A_7 step %scan3A_8  : i32 {
      %broadcast_in_dim3A_84 = arith.constant 0.000000e+00 : f32
      %broadcast_in_dim3A_85 = vector.broadcast %broadcast_in_dim3A_84 : f32 to vector<16xf32>
      %swap3A_86 = arith.index_cast %scan3A_83 : i32 to index
      %swap3A_87 = arith.constant 0 : index
      %swap3A_88 = tpu.vector_load %arg9[%swap3A_86, %swap3A_87] {strides = array<i32>} : memref<80x128xf32, #tpu.memory_space<vmem>>, vector<1x16xf32>,
      %swap3A_89 = vector.shape_cast %swap3A_88 : vector<1x16xf32> to vector<16xf32>
      %swap3A_90 = vector.shape_cast %broadcast_in_dim3A_85 : vector<16xf32> to vector<1x16xf32>
      tpu.vector_store %arg9[%swap3A_86, %swap3A_87], %swap3A_90 {strides = array<i32>} : memref<80x128xf32, #tpu.memory_space<vmem>>, vector<1x16xf32>,
      %broadcast_in_dim3A_91 = arith.constant 0.000000e+00 : f32
      %broadcast_in_dim3A_92 = vector.broadcast %broadcast_in_dim3A_91 : f32 to vector<16xf32>
      %swap3A_93 = arith.index_cast %scan3A_83 : i32 to index
      %swap3A_94 = arith.constant 16 : index
      %swap3A_95 = tpu.vector_load %arg9[%swap3A_93, %swap3A_94] {strides = array<i32>} : memref<80x128xf32, #tpu.memory_space<vmem>>, vector<1x16xf32>,
      %swap3A_96 = vector.shape_cast %swap3A_95 : vector<1x16xf32> to vector<16xf32>
      %swap3A_97 = vector.shape_cast %broadcast_in_dim3A_92 : vector<16xf32> to vector<1x16xf32>
      tpu.vector_store %arg9[%swap3A_93, %swap3A_94], %swap3A_97 {strides = array<i32>} : memref<80x128xf32, #tpu.memory_space<vmem>>, vector<1x16xf32>,
      %broadcast_in_dim3A_98 = arith.constant 0.000000e+00 : f32
      %broadcast_in_dim3A_99 = vector.broadcast %broadcast_in_dim3A_98 : f32 to vector<16xf32>
      %swap3A_100 = arith.index_cast %scan3A_83 : i32 to index
      %swap3A_101 = arith.constant 32 : index
      %swap3A_102 = tpu.vector_load %arg9[%swap3A_100, %swap3A_101] {strides = array<i32>} : memref<80x128xf32, #tpu.memory_space<vmem>>, vector<1x16xf32>,
      %swap3A_103 = vector.shape_cast %swap3A_102 : vector<1x16xf32> to vector<16xf32>
      %swap3A_104 = vector.shape_cast %broadcast_in_dim3A_99 : vector<16xf32> to vector<1x16xf32>
      tpu.vector_store %arg9[%swap3A_100, %swap3A_101], %swap3A_104 {strides = array<i32>} : memref<80x128xf32, #tpu.memory_space<vmem>>, vector<1x16xf32>,
      %broadcast_in_dim3A_105 = arith.constant 0.000000e+00 : f32
      %broadcast_in_dim3A_106 = vector.broadcast %broadcast_in_dim3A_105 : f32 to vector<16xf32>
      %swap3A_107 = arith.index_cast %scan3A_83 : i32 to index
      %swap3A_108 = arith.constant 48 : index
      %swap3A_109 = tpu.vector_load %arg9[%swap3A_107, %swap3A_108] {strides = array<i32>} : memref<80x128xf32, #tpu.memory_space<vmem>>, vector<1x16xf32>,
      %swap3A_110 = vector.shape_cast %swap3A_109 : vector<1x16xf32> to vector<16xf32>
      %swap3A_111 = vector.shape_cast %broadcast_in_dim3A_106 : vector<16xf32> to vector<1x16xf32>
      tpu.vector_store %arg9[%swap3A_107, %swap3A_108], %swap3A_111 {strides = array<i32>} : memref<80x128xf32, #tpu.memory_space<vmem>>, vector<1x16xf32>,
      %broadcast_in_dim3A_112 = arith.constant 0.000000e+00 : f32
      %broadcast_in_dim3A_113 = vector.broadcast %broadcast_in_dim3A_112 : f32 to vector<16xf32>
      %swap3A_114 = arith.index_cast %scan3A_83 : i32 to index
      %swap3A_115 = arith.constant 64 : index
      %swap3A_116 = tpu.vector_load %arg9[%swap3A_114, %swap3A_115] {strides = array<i32>} : memref<80x128xf32, #tpu.memory_space<vmem>>, vector<1x16xf32>,
      %swap3A_117 = vector.shape_cast %swap3A_116 : vector<1x16xf32> to vector<16xf32>
      %swap3A_118 = vector.shape_cast %broadcast_in_dim3A_113 : vector<16xf32> to vector<1x16xf32>
      tpu.vector_store %arg9[%swap3A_114, %swap3A_115], %swap3A_118 {strides = array<i32>} : memref<80x128xf32, #tpu.memory_space<vmem>>, vector<1x16xf32>,
      %broadcast_in_dim3A_119 = arith.constant 0.000000e+00 : f32
      %broadcast_in_dim3A_120 = vector.broadcast %broadcast_in_dim3A_119 : f32 to vector<16xf32>
      %swap3A_121 = arith.index_cast %scan3A_83 : i32 to index
      %swap3A_122 = arith.constant 80 : index
      %swap3A_123 = tpu.vector_load %arg9[%swap3A_121, %swap3A_122] {strides = array<i32>} : memref<80x128xf32, #tpu.memory_space<vmem>>, vector<1x16xf32>,
      %swap3A_124 = vector.shape_cast %swap3A_123 : vector<1x16xf32> to vector<16xf32>
      %swap3A_125 = vector.shape_cast %broadcast_in_dim3A_120 : vector<16xf32> to vector<1x16xf32>
      tpu.vector_store %arg9[%swap3A_121, %swap3A_122], %swap3A_125 {strides = array<i32>} : memref<80x128xf32, #tpu.memory_space<vmem>>, vector<1x16xf32>,
      %broadcast_in_dim3A_126 = arith.constant 0.000000e+00 : f32
      %broadcast_in_dim3A_127 = vector.broadcast %broadcast_in_dim3A_126 : f32 to vector<16xf32>
      %swap3A_128 = arith.index_cast %scan3A_83 : i32 to index
      %swap3A_129 = arith.constant 96 : index
      %swap3A_130 = tpu.vector_load %arg9[%swap3A_128, %swap3A_129] {strides = array<i32>} : memref<80x128xf32, #tpu.memory_space<vmem>>, vector<1x16xf32>,
      %swap3A_131 = vector.shape_cast %swap3A_130 : vector<1x16xf32> to vector<16xf32>
      %swap3A_132 = vector.shape_cast %broadcast_in_dim3A_127 : vector<16xf32> to vector<1x16xf32>
      tpu.vector_store %arg9[%swap3A_128, %swap3A_129], %swap3A_132 {strides = array<i32>} : memref<80x128xf32, #tpu.memory_space<vmem>>, vector<1x16xf32>,
      %broadcast_in_dim3A_133 = arith.constant 0.000000e+00 : f32
      %broadcast_in_dim3A_134 = vector.broadcast %broadcast_in_dim3A_133 : f32 to vector<16xf32>
      %swap3A_135 = arith.index_cast %scan3A_83 : i32 to index
      %swap3A_136 = arith.constant 112 : index
      %swap3A_137 = tpu.vector_load %arg9[%swap3A_135, %swap3A_136] {strides = array<i32>} : memref<80x128xf32, #tpu.memory_space<vmem>>, vector<1x16xf32>,
      %swap3A_138 = vector.shape_cast %swap3A_137 : vector<1x16xf32> to vector<16xf32>
      %swap3A_139 = vector.shape_cast %broadcast_in_dim3A_134 : vector<16xf32> to vector<1x16xf32>
      tpu.vector_store %arg9[%swap3A_135, %swap3A_136], %swap3A_139 {strides = array<i32>} : memref<80x128xf32, #tpu.memory_space<vmem>>, vector<1x16xf32>,
    }
    %scan3A_9 = arith.constant 80 : i32
    %add3A_10 = arith.constant 0 : i32
    %add3A_11 = arith.addi %mul3A_4, %add3A_10 : i32
    "tpu.region"() ({
      %run_scoped3A = tpu.sem_alloc : memref<!tpu.dma_semaphore, #tpu.memory_space<semaphore_mem>>
      %dma_start3A = arith.constant 0 : i32
      %dma_start3A_83 = tpu.memref_slice %arg10[%add3A_11, %dma_start3A] : memref<10240x128xf32, #tpu.memory_space<vmem_shared>> -> memref<80x128xf32, #tpu.memory_space<vmem_shared>>
      %dma_start3A_84 = arith.constant 0 : i32
      %dma_start3A_85 = tpu.memref_slice %arg10[%add3A_11, %dma_start3A_84] : memref<10240x128xf32, #tpu.memory_space<vmem_shared>> -> memref<80x128xf32, #tpu.memory_space<vmem_shared>>
      tpu.enqueue_dma source(%arg9 : memref<80x128xf32, #tpu.memory_space<vmem>>) target(%dma_start3A_85 : memref<80x128xf32, #tpu.memory_space<vmem_shared>>) target_semaphore(%run_scoped3A : memref<!tpu.dma_semaphore, #tpu.memory_space<semaphore_mem>>)
      %dma_wait3A = arith.constant 0 : i32
      %dma_wait3A_86 = tpu.memref_slice %arg10[%add3A_11, %dma_wait3A] : memref<10240x128xf32, #tpu.memory_space<vmem_shared>> -> memref<80x128xf32, #tpu.memory_space<vmem_shared>>
      %dma_wait3A_87 = arith.constant 0 : i32
      %dma_wait3A_88 = tpu.memref_slice %arg10[%add3A_11, %dma_wait3A_87] : memref<10240x128xf32, #tpu.memory_space<vmem_shared>> -> memref<80x128xf32, #tpu.memory_space<vmem_shared>>
      tpu.wait_dma2 semaphore(%run_scoped3A : memref<!tpu.dma_semaphore, #tpu.memory_space<semaphore_mem>>) src(%arg9 : memref<80x128xf32, #tpu.memory_space<vmem>>) dst(%dma_wait3A_88 : memref<80x128xf32, #tpu.memory_space<vmem_shared>>)
      tpu.yield
    }) : () -> ()
    %add3A_12 = arith.constant 80 : i32
    %add3A_13 = arith.addi %mul3A_4, %add3A_12 : i32
    "tpu.region"() ({
      %run_scoped3A = tpu.sem_alloc : memref<!tpu.dma_semaphore, #tpu.memory_space<semaphore_mem>>
      %dma_start3A = arith.constant 0 : i32
      %dma_start3A_83 = tpu.memref_slice %arg10[%add3A_13, %dma_start3A] : memref<10240x128xf32, #tpu.memory_space<vmem_shared>> -> memref<80x128xf32, #tpu.memory_space<vmem_shared>>
      %dma_start3A_84 = arith.constant 0 : i32
      %dma_start3A_85 = tpu.memref_slice %arg10[%add3A_13, %dma_start3A_84] : memref<10240x128xf32, #tpu.memory_space<vmem_shared>> -> memref<80x128xf32, #tpu.memory_space<vmem_shared>>
      tpu.enqueue_dma source(%arg9 : memref<80x128xf32, #tpu.memory_space<vmem>>) target(%dma_start3A_85 : memref<80x128xf32, #tpu.memory_space<vmem_shared>>) target_semaphore(%run_scoped3A : memref<!tpu.dma_semaphore, #tpu.memory_space<semaphore_mem>>)
      %dma_wait3A = arith.constant 0 : i32
      %dma_wait3A_86 = tpu.memref_slice %arg10[%add3A_13, %dma_wait3A] : memref<10240x128xf32, #tpu.memory_space<vmem_shared>> -> memref<80x128xf32, #tpu.memory_space<vmem_shared>>
      %dma_wait3A_87 = arith.constant 0 : i32
      %dma_wait3A_88 = tpu.memref_slice %arg10[%add3A_13, %dma_wait3A_87] : memref<10240x128xf32, #tpu.memory_space<vmem_shared>> -> memref<80x128xf32, #tpu.memory_space<vmem_shared>>
      tpu.wait_dma2 semaphore(%run_scoped3A : memref<!tpu.dma_semaphore, #tpu.memory_space<semaphore_mem>>) src(%arg9 : memref<80x128xf32, #tpu.memory_space<vmem>>) dst(%dma_wait3A_88 : memref<80x128xf32, #tpu.memory_space<vmem_shared>>)
      tpu.yield
    }) : () -> ()
    %add3A_14 = arith.constant 160 : i32
    %add3A_15 = arith.addi %mul3A_4, %add3A_14 : i32
    "tpu.region"() ({
      %run_scoped3A = tpu.sem_alloc : memref<!tpu.dma_semaphore, #tpu.memory_space<semaphore_mem>>
      %dma_start3A = arith.constant 0 : i32
      %dma_start3A_83 = tpu.memref_slice %arg10[%add3A_15, %dma_start3A] : memref<10240x128xf32, #tpu.memory_space<vmem_shared>> -> memref<80x128xf32, #tpu.memory_space<vmem_shared>>
      %dma_start3A_84 = arith.constant 0 : i32
      %dma_start3A_85 = tpu.memref_slice %arg10[%add3A_15, %dma_start3A_84] : memref<10240x128xf32, #tpu.memory_space<vmem_shared>> -> memref<80x128xf32, #tpu.memory_space<vmem_shared>>
      tpu.enqueue_dma source(%arg9 : memref<80x128xf32, #tpu.memory_space<vmem>>) target(%dma_start3A_85 : memref<80x128xf32, #tpu.memory_space<vmem_shared>>) target_semaphore(%run_scoped3A : memref<!tpu.dma_semaphore, #tpu.memory_space<semaphore_mem>>)
      %dma_wait3A = arith.constant 0 : i32
      %dma_wait3A_86 = tpu.memref_slice %arg10[%add3A_15, %dma_wait3A] : memref<10240x128xf32, #tpu.memory_space<vmem_shared>> -> memref<80x128xf32, #tpu.memory_space<vmem_shared>>
      %dma_wait3A_87 = arith.constant 0 : i32
      %dma_wait3A_88 = tpu.memref_slice %arg10[%add3A_15, %dma_wait3A_87] : memref<10240x128xf32, #tpu.memory_space<vmem_shared>> -> memref<80x128xf32, #tpu.memory_space<vmem_shared>>
      tpu.wait_dma2 semaphore(%run_scoped3A : memref<!tpu.dma_semaphore, #tpu.memory_space<semaphore_mem>>) src(%arg9 : memref<80x128xf32, #tpu.memory_space<vmem>>) dst(%dma_wait3A_88 : memref<80x128xf32, #tpu.memory_space<vmem_shared>>)
      tpu.yield
    }) : () -> ()
    %add3A_16 = arith.constant 240 : i32
    %add3A_17 = arith.addi %mul3A_4, %add3A_16 : i32
    "tpu.region"() ({
      %run_scoped3A = tpu.sem_alloc : memref<!tpu.dma_semaphore, #tpu.memory_space<semaphore_mem>>
      %dma_start3A = arith.constant 0 : i32
      %dma_start3A_83 = tpu.memref_slice %arg10[%add3A_17, %dma_start3A] : memref<10240x128xf32, #tpu.memory_space<vmem_shared>> -> memref<80x128xf32, #tpu.memory_space<vmem_shared>>
      %dma_start3A_84 = arith.constant 0 : i32
      %dma_start3A_85 = tpu.memref_slice %arg10[%add3A_17, %dma_start3A_84] : memref<10240x128xf32, #tpu.memory_space<vmem_shared>> -> memref<80x128xf32, #tpu.memory_space<vmem_shared>>
      tpu.enqueue_dma source(%arg9 : memref<80x128xf32, #tpu.memory_space<vmem>>) target(%dma_start3A_85 : memref<80x128xf32, #tpu.memory_space<vmem_shared>>) target_semaphore(%run_scoped3A : memref<!tpu.dma_semaphore, #tpu.memory_space<semaphore_mem>>)
      %dma_wait3A = arith.constant 0 : i32
      %dma_wait3A_86 = tpu.memref_slice %arg10[%add3A_17, %dma_wait3A] : memref<10240x128xf32, #tpu.memory_space<vmem_shared>> -> memref<80x128xf32, #tpu.memory_space<vmem_shared>>
      %dma_wait3A_87 = arith.constant 0 : i32
      %dma_wait3A_88 = tpu.memref_slice %arg10[%add3A_17, %dma_wait3A_87] : memref<10240x128xf32, #tpu.memory_space<vmem_shared>> -> memref<80x128xf32, #tpu.memory_space<vmem_shared>>
      tpu.wait_dma2 semaphore(%run_scoped3A : memref<!tpu.dma_semaphore, #tpu.memory_space<semaphore_mem>>) src(%arg9 : memref<80x128xf32, #tpu.memory_space<vmem>>) dst(%dma_wait3A_88 : memref<80x128xf32, #tpu.memory_space<vmem_shared>>)
      tpu.yield
    }) : () -> ()
    %add3A_18 = arith.constant 320 : i32
    %add3A_19 = arith.addi %mul3A_4, %add3A_18 : i32
    "tpu.region"() ({
      %run_scoped3A = tpu.sem_alloc : memref<!tpu.dma_semaphore, #tpu.memory_space<semaphore_mem>>
      %dma_start3A = arith.constant 0 : i32
      %dma_start3A_83 = tpu.memref_slice %arg10[%add3A_19, %dma_start3A] : memref<10240x128xf32, #tpu.memory_space<vmem_shared>> -> memref<80x128xf32, #tpu.memory_space<vmem_shared>>
      %dma_start3A_84 = arith.constant 0 : i32
      %dma_start3A_85 = tpu.memref_slice %arg10[%add3A_19, %dma_start3A_84] : memref<10240x128xf32, #tpu.memory_space<vmem_shared>> -> memref<80x128xf32, #tpu.memory_space<vmem_shared>>
      tpu.enqueue_dma source(%arg9 : memref<80x128xf32, #tpu.memory_space<vmem>>) target(%dma_start3A_85 : memref<80x128xf32, #tpu.memory_space<vmem_shared>>) target_semaphore(%run_scoped3A : memref<!tpu.dma_semaphore, #tpu.memory_space<semaphore_mem>>)
      %dma_wait3A = arith.constant 0 : i32
      %dma_wait3A_86 = tpu.memref_slice %arg10[%add3A_19, %dma_wait3A] : memref<10240x128xf32, #tpu.memory_space<vmem_shared>> -> memref<80x128xf32, #tpu.memory_space<vmem_shared>>
      %dma_wait3A_87 = arith.constant 0 : i32
      %dma_wait3A_88 = tpu.memref_slice %arg10[%add3A_19, %dma_wait3A_87] : memref<10240x128xf32, #tpu.memory_space<vmem_shared>> -> memref<80x128xf32, #tpu.memory_space<vmem_shared>>
      tpu.wait_dma2 semaphore(%run_scoped3A : memref<!tpu.dma_semaphore, #tpu.memory_space<semaphore_mem>>) src(%arg9 : memref<80x128xf32, #tpu.memory_space<vmem>>) dst(%dma_wait3A_88 : memref<80x128xf32, #tpu.memory_space<vmem_shared>>)
      tpu.yield
    }) : () -> ()
    %add3A_20 = arith.constant 400 : i32
    %add3A_21 = arith.addi %mul3A_4, %add3A_20 : i32
    "tpu.region"() ({
      %run_scoped3A = tpu.sem_alloc : memref<!tpu.dma_semaphore, #tpu.memory_space<semaphore_mem>>
      %dma_start3A = arith.constant 0 : i32
      %dma_start3A_83 = tpu.memref_slice %arg10[%add3A_21, %dma_start3A] : memref<10240x128xf32, #tpu.memory_space<vmem_shared>> -> memref<80x128xf32, #tpu.memory_space<vmem_shared>>
      %dma_start3A_84 = arith.constant 0 : i32
      %dma_start3A_85 = tpu.memref_slice %arg10[%add3A_21, %dma_start3A_84] : memref<10240x128xf32, #tpu.memory_space<vmem_shared>> -> memref<80x128xf32, #tpu.memory_space<vmem_shared>>
      tpu.enqueue_dma source(%arg9 : memref<80x128xf32, #tpu.memory_space<vmem>>) target(%dma_start3A_85 : memref<80x128xf32, #tpu.memory_space<vmem_shared>>) target_semaphore(%run_scoped3A : memref<!tpu.dma_semaphore, #tpu.memory_space<semaphore_mem>>)
      %dma_wait3A = arith.constant 0 : i32
      %dma_wait3A_86 = tpu.memref_slice %arg10[%add3A_21, %dma_wait3A] : memref<10240x128xf32, #tpu.memory_space<vmem_shared>> -> memref<80x128xf32, #tpu.memory_space<vmem_shared>>
      %dma_wait3A_87 = arith.constant 0 : i32
      %dma_wait3A_88 = tpu.memref_slice %arg10[%add3A_21, %dma_wait3A_87] : memref<10240x128xf32, #tpu.memory_space<vmem_shared>> -> memref<80x128xf32, #tpu.memory_space<vmem_shared>>
      tpu.wait_dma2 semaphore(%run_scoped3A : memref<!tpu.dma_semaphore, #tpu.memory_space<semaphore_mem>>) src(%arg9 : memref<80x128xf32, #tpu.memory_space<vmem>>) dst(%dma_wait3A_88 : memref<80x128xf32, #tpu.memory_space<vmem_shared>>)
      tpu.yield
    }) : () -> ()
    %add3A_22 = arith.constant 480 : i32
    %add3A_23 = arith.addi %mul3A_4, %add3A_22 : i32
    "tpu.region"() ({
      %run_scoped3A = tpu.sem_alloc : memref<!tpu.dma_semaphore, #tpu.memory_space<semaphore_mem>>
      %dma_start3A = arith.constant 0 : i32
      %dma_start3A_83 = tpu.memref_slice %arg10[%add3A_23, %dma_start3A] : memref<10240x128xf32, #tpu.memory_space<vmem_shared>> -> memref<80x128xf32, #tpu.memory_space<vmem_shared>>
      %dma_start3A_84 = arith.constant 0 : i32
      %dma_start3A_85 = tpu.memref_slice %arg10[%add3A_23, %dma_start3A_84] : memref<10240x128xf32, #tpu.memory_space<vmem_shared>> -> memref<80x128xf32, #tpu.memory_space<vmem_shared>>
      tpu.enqueue_dma source(%arg9 : memref<80x128xf32, #tpu.memory_space<vmem>>) target(%dma_start3A_85 : memref<80x128xf32, #tpu.memory_space<vmem_shared>>) target_semaphore(%run_scoped3A : memref<!tpu.dma_semaphore, #tpu.memory_space<semaphore_mem>>)
      %dma_wait3A = arith.constant 0 : i32
      %dma_wait3A_86 = tpu.memref_slice %arg10[%add3A_23, %dma_wait3A] : memref<10240x128xf32, #tpu.memory_space<vmem_shared>> -> memref<80x128xf32, #tpu.memory_space<vmem_shared>>
      %dma_wait3A_87 = arith.constant 0 : i32
      %dma_wait3A_88 = tpu.memref_slice %arg10[%add3A_23, %dma_wait3A_87] : memref<10240x128xf32, #tpu.memory_space<vmem_shared>> -> memref<80x128xf32, #tpu.memory_space<vmem_shared>>
      tpu.wait_dma2 semaphore(%run_scoped3A : memref<!tpu.dma_semaphore, #tpu.memory_space<semaphore_mem>>) src(%arg9 : memref<80x128xf32, #tpu.memory_space<vmem>>) dst(%dma_wait3A_88 : memref<80x128xf32, #tpu.memory_space<vmem_shared>>)
      tpu.yield
    }) : () -> ()
    %add3A_24 = arith.constant 560 : i32
    %add3A_25 = arith.addi %mul3A_4, %add3A_24 : i32
    "tpu.region"() ({
      %run_scoped3A = tpu.sem_alloc : memref<!tpu.dma_semaphore, #tpu.memory_space<semaphore_mem>>
      %dma_start3A = arith.constant 0 : i32
      %dma_start3A_83 = tpu.memref_slice %arg10[%add3A_25, %dma_start3A] : memref<10240x128xf32, #tpu.memory_space<vmem_shared>> -> memref<80x128xf32, #tpu.memory_space<vmem_shared>>
      %dma_start3A_84 = arith.constant 0 : i32
      %dma_start3A_85 = tpu.memref_slice %arg10[%add3A_25, %dma_start3A_84] : memref<10240x128xf32, #tpu.memory_space<vmem_shared>> -> memref<80x128xf32, #tpu.memory_space<vmem_shared>>
      tpu.enqueue_dma source(%arg9 : memref<80x128xf32, #tpu.memory_space<vmem>>) target(%dma_start3A_85 : memref<80x128xf32, #tpu.memory_space<vmem_shared>>) target_semaphore(%run_scoped3A : memref<!tpu.dma_semaphore, #tpu.memory_space<semaphore_mem>>)
      %dma_wait3A = arith.constant 0 : i32
      %dma_wait3A_86 = tpu.memref_slice %arg10[%add3A_25, %dma_wait3A] : memref<10240x128xf32, #tpu.memory_space<vmem_shared>> -> memref<80x128xf32, #tpu.memory_space<vmem_shared>>
      %dma_wait3A_87 = arith.constant 0 : i32
      %dma_wait3A_88 = tpu.memref_slice %arg10[%add3A_25, %dma_wait3A_87] : memref<10240x128xf32, #tpu.memory_space<vmem_shared>> -> memref<80x128xf32, #tpu.memory_space<vmem_shared>>
      tpu.wait_dma2 semaphore(%run_scoped3A : memref<!tpu.dma_semaphore, #tpu.memory_space<semaphore_mem>>) src(%arg9 : memref<80x128xf32, #tpu.memory_space<vmem>>) dst(%dma_wait3A_88 : memref<80x128xf32, #tpu.memory_space<vmem_shared>>)
      tpu.yield
    }) : () -> ()
    %scan3A_26 = arith.constant 0 : i32
    %scan3A_27 = arith.constant 0 : i32
    %scan3A_28 = arith.constant 40 : i32
    %scan3A_29 = arith.addi %scan3A_27, %scan3A_28 : i32
    %scan3A_30 = arith.constant 1 : i32
    scf.for %scan3A_83 = %scan3A_27 to %scan3A_29 step %scan3A_30  : i32 {
      %broadcast_in_dim3A_84 = arith.constant 0.000000e+00 : f32
      %broadcast_in_dim3A_85 = vector.broadcast %broadcast_in_dim3A_84 : f32 to vector<16xf32>
      %mul3A_86 = arith.constant 16 : i32
      %mul3A_87 = arith.muli %scan3A_83, %mul3A_86 : i32
      %swap3A_88 = arith.index_cast %mul3A_87 : i32 to index
      %swap3A_89 = tpu.vector_load %arg13[%swap3A_88] {strides = array<i32>} : memref<640xf32, #tpu.memory_space<vmem>>, vector<16xf32>,
      %swap3A_90 = vector.shape_cast %swap3A_89 : vector<16xf32> to vector<16xf32>
      %swap3A_91 = vector.shape_cast %broadcast_in_dim3A_85 : vector<16xf32> to vector<16xf32>
      tpu.vector_store %arg13[%swap3A_88], %swap3A_91 {strides = array<i32>} : memref<640xf32, #tpu.memory_space<vmem>>, vector<16xf32>,
    }
    %scan3A_31 = arith.constant 40 : i32
    "tpu.region"() ({
      %run_scoped3A = tpu.sem_alloc : memref<!tpu.dma_semaphore, #tpu.memory_space<semaphore_mem>>
      %dma_start3A = tpu.memref_slice %arg14[%mul3A_4] : memref<10240xf32, #tpu.memory_space<vmem_shared>> -> memref<640xf32, #tpu.memory_space<vmem_shared>>
      %dma_start3A_83 = tpu.memref_slice %arg14[%mul3A_4] : memref<10240xf32, #tpu.memory_space<vmem_shared>> -> memref<640xf32, #tpu.memory_space<vmem_shared>>
      tpu.enqueue_dma source(%arg13 : memref<640xf32, #tpu.memory_space<vmem>>) target(%dma_start3A_83 : memref<640xf32, #tpu.memory_space<vmem_shared>>) target_semaphore(%run_scoped3A : memref<!tpu.dma_semaphore, #tpu.memory_space<semaphore_mem>>)
      %dma_wait3A = tpu.memref_slice %arg14[%mul3A_4] : memref<10240xf32, #tpu.memory_space<vmem_shared>> -> memref<640xf32, #tpu.memory_space<vmem_shared>>
      %dma_wait3A_84 = tpu.memref_slice %arg14[%mul3A_4] : memref<10240xf32, #tpu.memory_space<vmem_shared>> -> memref<640xf32, #tpu.memory_space<vmem_shared>>
      tpu.wait_dma2 semaphore(%run_scoped3A : memref<!tpu.dma_semaphore, #tpu.memory_space<semaphore_mem>>) src(%arg13 : memref<640xf32, #tpu.memory_space<vmem>>) dst(%dma_wait3A_84 : memref<640xf32, #tpu.memory_space<vmem_shared>>)
      tpu.yield
    }) : () -> ()
    %broadcast_in_dim3A = arith.constant 1.000000e+00 : f32
    %broadcast_in_dim3A_32 = vector.broadcast %broadcast_in_dim3A : f32 to vector<16xf32>
    %swap3A = arith.constant 0 : index
    %swap3A_33 = tpu.vector_load %arg12[%swap3A] {strides = array<i32>} : memref<80xf32, #tpu.memory_space<vmem>>, vector<16xf32>,
    %swap3A_34 = vector.shape_cast %swap3A_33 : vector<16xf32> to vector<16xf32>
    %swap3A_35 = vector.shape_cast %broadcast_in_dim3A_32 : vector<16xf32> to vector<16xf32>
    tpu.vector_store %arg12[%swap3A], %swap3A_35 {strides = array<i32>} : memref<80xf32, #tpu.memory_space<vmem>>, vector<16xf32>,
    %broadcast_in_dim3A_36 = arith.constant 1.000000e+00 : f32
    %broadcast_in_dim3A_37 = vector.broadcast %broadcast_in_dim3A_36 : f32 to vector<16xf32>
    %swap3A_38 = arith.constant 16 : index
    %swap3A_39 = tpu.vector_load %arg12[%swap3A_38] {strides = array<i32>} : memref<80xf32, #tpu.memory_space<vmem>>, vector<16xf32>,
    %swap3A_40 = vector.shape_cast %swap3A_39 : vector<16xf32> to vector<16xf32>
    %swap3A_41 = vector.shape_cast %broadcast_in_dim3A_37 : vector<16xf32> to vector<16xf32>
    tpu.vector_store %arg12[%swap3A_38], %swap3A_41 {strides = array<i32>} : memref<80xf32, #tpu.memory_space<vmem>>, vector<16xf32>,
    %broadcast_in_dim3A_42 = arith.constant 1.000000e+00 : f32
    %broadcast_in_dim3A_43 = vector.broadcast %broadcast_in_dim3A_42 : f32 to vector<16xf32>
    %swap3A_44 = arith.constant 32 : index
    %swap3A_45 = tpu.vector_load %arg12[%swap3A_44] {strides = array<i32>} : memref<80xf32, #tpu.memory_space<vmem>>, vector<16xf32>,
    %swap3A_46 = vector.shape_cast %swap3A_45 : vector<16xf32> to vector<16xf32>
    %swap3A_47 = vector.shape_cast %broadcast_in_dim3A_43 : vector<16xf32> to vector<16xf32>
    tpu.vector_store %arg12[%swap3A_44], %swap3A_47 {strides = array<i32>} : memref<80xf32, #tpu.memory_space<vmem>>, vector<16xf32>,
    %broadcast_in_dim3A_48 = arith.constant 1.000000e+00 : f32
    %broadcast_in_dim3A_49 = vector.broadcast %broadcast_in_dim3A_48 : f32 to vector<16xf32>
    %swap3A_50 = arith.constant 48 : index
    %swap3A_51 = tpu.vector_load %arg12[%swap3A_50] {strides = array<i32>} : memref<80xf32, #tpu.memory_space<vmem>>, vector<16xf32>,
    %swap3A_52 = vector.shape_cast %swap3A_51 : vector<16xf32> to vector<16xf32>
    %swap3A_53 = vector.shape_cast %broadcast_in_dim3A_49 : vector<16xf32> to vector<16xf32>
    tpu.vector_store %arg12[%swap3A_50], %swap3A_53 {strides = array<i32>} : memref<80xf32, #tpu.memory_space<vmem>>, vector<16xf32>,
    %broadcast_in_dim3A_54 = arith.constant 1.000000e+00 : f32
    %broadcast_in_dim3A_55 = vector.broadcast %broadcast_in_dim3A_54 : f32 to vector<16xf32>
    %swap3A_56 = arith.constant 64 : index
    %swap3A_57 = tpu.vector_load %arg12[%swap3A_56] {strides = array<i32>} : memref<80xf32, #tpu.memory_space<vmem>>, vector<16xf32>,
    %swap3A_58 = vector.shape_cast %swap3A_57 : vector<16xf32> to vector<16xf32>
    %swap3A_59 = vector.shape_cast %broadcast_in_dim3A_55 : vector<16xf32> to vector<16xf32>
    tpu.vector_store %arg12[%swap3A_56], %swap3A_59 {strides = array<i32>} : memref<80xf32, #tpu.memory_space<vmem>>, vector<16xf32>,
    %barrier3A = arith.constant 0 : index
    tpu.barrier barrier_id(%barrier3A)
    %scan3A_60 = arith.constant 0 : i32
    %scan3A_61 = arith.constant 0 : i32
    %scan3A_62 = arith.constant 125 : i32
    %scan3A_63 = arith.addi %scan3A_61, %scan3A_62 : i32
    %scan3A_64 = arith.constant 1 : i32
    scf.for %scan3A_83 = %scan3A_61 to %scan3A_63 step %scan3A_64  : i32 {
      %mul3A_84 = arith.constant 80 : i32
      %mul3A_85 = arith.muli %scan3A_83, %mul3A_84 : i32
      %add3A_86 = arith.addi %mul3A_2, %mul3A_85 : i32
      "tpu.region"() ({
        %run_scoped3A = tpu.sem_alloc : memref<!tpu.dma_semaphore, #tpu.memory_space<semaphore_mem>>
        %dma_start3A_91 = tpu.memref_slice %arg3[%add3A_86] : memref<320000xi32, #tpu.memory_space<hbm>> -> memref<80xi32, #tpu.memory_space<hbm>>
        %dma_start3A_92 = tpu.memref_slice %arg3[%add3A_86] : memref<320000xi32, #tpu.memory_space<hbm>> -> memref<80xi32, #tpu.memory_space<hbm>>
        tpu.enqueue_dma source(%dma_start3A_92 : memref<80xi32, #tpu.memory_space<hbm>>) target(%arg7 : memref<80xi32, #tpu.memory_space<vmem>>) target_semaphore(%run_scoped3A : memref<!tpu.dma_semaphore, #tpu.memory_space<semaphore_mem>>)
        %dma_wait3A_93 = tpu.memref_slice %arg3[%add3A_86] : memref<320000xi32, #tpu.memory_space<hbm>> -> memref<80xi32, #tpu.memory_space<hbm>>
        %dma_wait3A_94 = tpu.memref_slice %arg3[%add3A_86] : memref<320000xi32, #tpu.memory_space<hbm>> -> memref<80xi32, #tpu.memory_space<hbm>>
        tpu.wait_dma2 semaphore(%run_scoped3A : memref<!tpu.dma_semaphore, #tpu.memory_space<semaphore_mem>>) src(%dma_wait3A_94 : memref<80xi32, #tpu.memory_space<hbm>>) dst(%arg7 : memref<80xi32, #tpu.memory_space<vmem>>)
        tpu.yield
      }) : () -> ()
      "tpu.region"() ({
        %run_scoped3A = tpu.sem_alloc : memref<!tpu.dma_semaphore, #tpu.memory_space<semaphore_mem>>
        %dma_start3A_91 = tpu.memref_slice %arg4[%add3A_86] : memref<320000xi32, #tpu.memory_space<hbm>> -> memref<80xi32, #tpu.memory_space<hbm>>
        %dma_start3A_92 = tpu.memref_slice %arg4[%add3A_86] : memref<320000xi32, #tpu.memory_space<hbm>> -> memref<80xi32, #tpu.memory_space<hbm>>
        tpu.enqueue_dma source(%dma_start3A_92 : memref<80xi32, #tpu.memory_space<hbm>>) target(%arg8 : memref<80xi32, #tpu.memory_space<vmem>>) target_semaphore(%run_scoped3A : memref<!tpu.dma_semaphore, #tpu.memory_space<semaphore_mem>>)
        %dma_wait3A_93 = tpu.memref_slice %arg4[%add3A_86] : memref<320000xi32, #tpu.memory_space<hbm>> -> memref<80xi32, #tpu.memory_space<hbm>>
        %dma_wait3A_94 = tpu.memref_slice %arg4[%add3A_86] : memref<320000xi32, #tpu.memory_space<hbm>> -> memref<80xi32, #tpu.memory_space<hbm>>
        tpu.wait_dma2 semaphore(%run_scoped3A : memref<!tpu.dma_semaphore, #tpu.memory_space<semaphore_mem>>) src(%dma_wait3A_94 : memref<80xi32, #tpu.memory_space<hbm>>) dst(%arg8 : memref<80xi32, #tpu.memory_space<vmem>>)
        tpu.yield
      }) : () -> ()
      %dma_start3A = arith.constant 0 : i32
      %dma_start3A_87 = arith.constant 0 : i32
      %dma_start3A_88 = tpu.memref_slice %arg2[%dma_start3A, %dma_start3A_87] : memref<10000x128xf32, #tpu.memory_space<hbm>> -> memref<10000x128xf32, #tpu.memory_space<hbm>>
      tpu.enqueue_indirect_dma source(%dma_start3A_88 : memref<10000x128xf32, #tpu.memory_space<hbm>>) target(%arg9 : memref<80x128xf32, #tpu.memory_space<vmem>>) offsets(%arg7 : memref<80xi32, #tpu.memory_space<vmem>>) semaphore(%arg11 : memref<!tpu.dma_semaphore, #tpu.memory_space<semaphore_mem>>)
      %dma_wait3A = arith.constant 0 : i32
      %dma_wait3A_89 = arith.constant 0 : i32
      %dma_wait3A_90 = tpu.memref_slice %arg2[%dma_wait3A, %dma_wait3A_89] : memref<10000x128xf32, #tpu.memory_space<hbm>> -> memref<10000x128xf32, #tpu.memory_space<hbm>>
      tpu.wait_indirect_dma semaphore(%arg11 : memref<!tpu.dma_semaphore, #tpu.memory_space<semaphore_mem>>) src(%dma_wait3A_90 : memref<10000x128xf32, #tpu.memory_space<hbm>>) dst(%arg9 : memref<80x128xf32, #tpu.memory_space<vmem>>)
      "tpu.region"() ({
        %run_scoped3A = tpu.sem_alloc : memref<!tpu.dma_semaphore, #tpu.memory_space<semaphore_mem>>
        %dma_start3A_91 = arith.constant 0 : i32
        %dma_start3A_92 = arith.constant 0 : i32
        %dma_start3A_93 = tpu.memref_slice %arg10[%dma_start3A_91, %dma_start3A_92] : memref<10240x128xf32, #tpu.memory_space<vmem_shared>> -> memref<10240x128xf32, #tpu.memory_space<vmem_shared>>
        tpu.enqueue_indirect_dma source(%arg9 : memref<80x128xf32, #tpu.memory_space<vmem>>) target(%dma_start3A_93 : memref<10240x128xf32, #tpu.memory_space<vmem_shared>>) offsets(%arg8 : memref<80xi32, #tpu.memory_space<vmem>>) semaphore(%run_scoped3A : memref<!tpu.dma_semaphore, #tpu.memory_space<semaphore_mem>>) {add = true}
        %dma_wait3A_94 = arith.constant 0 : i32
        %dma_wait3A_95 = arith.constant 0 : i32
        %dma_wait3A_96 = tpu.memref_slice %arg10[%dma_wait3A_94, %dma_wait3A_95] : memref<10240x128xf32, #tpu.memory_space<vmem_shared>> -> memref<10240x128xf32, #tpu.memory_space<vmem_shared>>
        tpu.wait_indirect_dma semaphore(%run_scoped3A : memref<!tpu.dma_semaphore, #tpu.memory_space<semaphore_mem>>) src(%arg9 : memref<80x128xf32, #tpu.memory_space<vmem>>) dst(%dma_wait3A_96 : memref<10240x128xf32, #tpu.memory_space<vmem_shared>>)
        tpu.yield
      }) : () -> ()
      "tpu.region"() ({
        %run_scoped3A = tpu.sem_alloc : memref<!tpu.dma_semaphore, #tpu.memory_space<semaphore_mem>>
        %dma_start3A_91 = arith.constant 0 : i32
        %dma_start3A_92 = tpu.memref_slice %arg14[%dma_start3A_91] : memref<10240xf32, #tpu.memory_space<vmem_shared>> -> memref<10240xf32, #tpu.memory_space<vmem_shared>>
        tpu.enqueue_indirect_dma source(%arg12 : memref<80xf32, #tpu.memory_space<vmem>>) target(%dma_start3A_92 : memref<10240xf32, #tpu.memory_space<vmem_shared>>) offsets(%arg8 : memref<80xi32, #tpu.memory_space<vmem>>) semaphore(%run_scoped3A : memref<!tpu.dma_semaphore, #tpu.memory_space<semaphore_mem>>) {add = true}
        %dma_wait3A_93 = arith.constant 0 : i32
        %dma_wait3A_94 = tpu.memref_slice %arg14[%dma_wait3A_93] : memref<10240xf32, #tpu.memory_space<vmem_shared>> -> memref<10240xf32, #tpu.memory_space<vmem_shared>>
        tpu.wait_indirect_dma semaphore(%run_scoped3A : memref<!tpu.dma_semaphore, #tpu.memory_space<semaphore_mem>>) src(%arg12 : memref<80xf32, #tpu.memory_space<vmem>>) dst(%dma_wait3A_94 : memref<10240xf32, #tpu.memory_space<vmem_shared>>)
        tpu.yield
      }) : () -> ()
    }
    %scan3A_65 = arith.constant 125 : i32
    %barrier3A_66 = arith.constant 0 : index
    tpu.barrier barrier_id(%barrier3A_66)
    %add3A_67 = arith.constant 0 : i32
    %add3A_68 = arith.addi %mul3A_4, %add3A_67 : i32
    "tpu.region"() ({
      %run_scoped3A = tpu.sem_alloc : memref<!tpu.dma_semaphore, #tpu.memory_space<semaphore_mem>>
      %dma_start3A = arith.constant 0 : i32
      %dma_start3A_83 = tpu.memref_slice %arg10[%add3A_68, %dma_start3A] : memref<10240x128xf32, #tpu.memory_space<vmem_shared>> -> memref<80x128xf32, #tpu.memory_space<vmem_shared>>
      %dma_start3A_84 = arith.constant 0 : i32
      %dma_start3A_85 = tpu.memref_slice %arg10[%add3A_68, %dma_start3A_84] : memref<10240x128xf32, #tpu.memory_space<vmem_shared>> -> memref<80x128xf32, #tpu.memory_space<vmem_shared>>
      tpu.enqueue_dma source(%dma_start3A_85 : memref<80x128xf32, #tpu.memory_space<vmem_shared>>) target(%arg9 : memref<80x128xf32, #tpu.memory_space<vmem>>) target_semaphore(%run_scoped3A : memref<!tpu.dma_semaphore, #tpu.memory_space<semaphore_mem>>)
      %dma_wait3A = arith.constant 0 : i32
      %dma_wait3A_86 = tpu.memref_slice %arg10[%add3A_68, %dma_wait3A] : memref<10240x128xf32, #tpu.memory_space<vmem_shared>> -> memref<80x128xf32, #tpu.memory_space<vmem_shared>>
      %dma_wait3A_87 = arith.constant 0 : i32
      %dma_wait3A_88 = tpu.memref_slice %arg10[%add3A_68, %dma_wait3A_87] : memref<10240x128xf32, #tpu.memory_space<vmem_shared>> -> memref<80x128xf32, #tpu.memory_space<vmem_shared>>
      tpu.wait_dma2 semaphore(%run_scoped3A : memref<!tpu.dma_semaphore, #tpu.memory_space<semaphore_mem>>) src(%dma_wait3A_88 : memref<80x128xf32, #tpu.memory_space<vmem_shared>>) dst(%arg9 : memref<80x128xf32, #tpu.memory_space<vmem>>)
      tpu.yield
    }) : () -> ()
    "tpu.region"() ({
      %run_scoped3A = tpu.sem_alloc : memref<!tpu.dma_semaphore, #tpu.memory_space<semaphore_mem>>
      %dma_start3A = arith.constant 0 : i32
      %dma_start3A_83 = tpu.memref_slice %arg5[%arg0, %add3A_68, %dma_start3A] : memref<2x10240x128xf32, #tpu.memory_space<hbm>> -> memref<1x80x128xf32, #tpu.memory_space<hbm>>
      %dma_start3A_84 = tpu.memref_squeeze %dma_start3A_83 : memref<1x80x128xf32, #tpu.memory_space<hbm>> -> memref<80x128xf32, #tpu.memory_space<hbm>>
      %dma_start3A_85 = arith.constant 0 : i32
      %dma_start3A_86 = tpu.memref_slice %arg5[%arg0, %add3A_68, %dma_start3A_85] : memref<2x10240x128xf32, #tpu.memory_space<hbm>> -> memref<1x80x128xf32, #tpu.memory_space<hbm>>
      %dma_start3A_87 = tpu.memref_squeeze %dma_start3A_86 : memref<1x80x128xf32, #tpu.memory_space<hbm>> -> memref<80x128xf32, #tpu.memory_space<hbm>>
      tpu.enqueue_dma source(%arg9 : memref<80x128xf32, #tpu.memory_space<vmem>>) target(%dma_start3A_87 : memref<80x128xf32, #tpu.memory_space<hbm>>) target_semaphore(%run_scoped3A : memref<!tpu.dma_semaphore, #tpu.memory_space<semaphore_mem>>)
      %dma_wait3A = arith.constant 0 : i32
      %dma_wait3A_88 = tpu.memref_slice %arg5[%arg0, %add3A_68, %dma_wait3A] : memref<2x10240x128xf32, #tpu.memory_space<hbm>> -> memref<1x80x128xf32, #tpu.memory_space<hbm>>
      %dma_wait3A_89 = tpu.memref_squeeze %dma_wait3A_88 : memref<1x80x128xf32, #tpu.memory_space<hbm>> -> memref<80x128xf32, #tpu.memory_space<hbm>>
      %dma_wait3A_90 = arith.constant 0 : i32
      %dma_wait3A_91 = tpu.memref_slice %arg5[%arg0, %add3A_68, %dma_wait3A_90] : memref<2x10240x128xf32, #tpu.memory_space<hbm>> -> memref<1x80x128xf32, #tpu.memory_space<hbm>>
      %dma_wait3A_92 = tpu.memref_squeeze %dma_wait3A_91 : memref<1x80x128xf32, #tpu.memory_space<hbm>> -> memref<80x128xf32, #tpu.memory_space<hbm>>
      tpu.wait_dma2 semaphore(%run_scoped3A : memref<!tpu.dma_semaphore, #tpu.memory_space<semaphore_mem>>) src(%arg9 : memref<80x128xf32, #tpu.memory_space<vmem>>) dst(%dma_wait3A_92 : memref<80x128xf32, #tpu.memory_space<hbm>>)
      tpu.yield
    }) : () -> ()
    %add3A_69 = arith.constant 80 : i32
    %add3A_70 = arith.addi %mul3A_4, %add3A_69 : i32
    "tpu.region"() ({
      %run_scoped3A = tpu.sem_alloc : memref<!tpu.dma_semaphore, #tpu.memory_space<semaphore_mem>>
      %dma_start3A = arith.constant 0 : i32
      %dma_start3A_83 = tpu.memref_slice %arg10[%add3A_70, %dma_start3A] : memref<10240x128xf32, #tpu.memory_space<vmem_shared>> -> memref<80x128xf32, #tpu.memory_space<vmem_shared>>
      %dma_start3A_84 = arith.constant 0 : i32
      %dma_start3A_85 = tpu.memref_slice %arg10[%add3A_70, %dma_start3A_84] : memref<10240x128xf32, #tpu.memory_space<vmem_shared>> -> memref<80x128xf32, #tpu.memory_space<vmem_shared>>
      tpu.enqueue_dma source(%dma_start3A_85 : memref<80x128xf32, #tpu.memory_space<vmem_shared>>) target(%arg9 : memref<80x128xf32, #tpu.memory_space<vmem>>) target_semaphore(%run_scoped3A : memref<!tpu.dma_semaphore, #tpu.memory_space<semaphore_mem>>)
      %dma_wait3A = arith.constant 0 : i32
      %dma_wait3A_86 = tpu.memref_slice %arg10[%add3A_70, %dma_wait3A] : memref<10240x128xf32, #tpu.memory_space<vmem_shared>> -> memref<80x128xf32, #tpu.memory_space<vmem_shared>>
      %dma_wait3A_87 = arith.constant 0 : i32
      %dma_wait3A_88 = tpu.memref_slice %arg10[%add3A_70, %dma_wait3A_87] : memref<10240x128xf32, #tpu.memory_space<vmem_shared>> -> memref<80x128xf32, #tpu.memory_space<vmem_shared>>
      tpu.wait_dma2 semaphore(%run_scoped3A : memref<!tpu.dma_semaphore, #tpu.memory_space<semaphore_mem>>) src(%dma_wait3A_88 : memref<80x128xf32, #tpu.memory_space<vmem_shared>>) dst(%arg9 : memref<80x128xf32, #tpu.memory_space<vmem>>)
      tpu.yield
    }) : () -> ()
    "tpu.region"() ({
      %run_scoped3A = tpu.sem_alloc : memref<!tpu.dma_semaphore, #tpu.memory_space<semaphore_mem>>
      %dma_start3A = arith.constant 0 : i32
      %dma_start3A_83 = tpu.memref_slice %arg5[%arg0, %add3A_70, %dma_start3A] : memref<2x10240x128xf32, #tpu.memory_space<hbm>> -> memref<1x80x128xf32, #tpu.memory_space<hbm>>
      %dma_start3A_84 = tpu.memref_squeeze %dma_start3A_83 : memref<1x80x128xf32, #tpu.memory_space<hbm>> -> memref<80x128xf32, #tpu.memory_space<hbm>>
      %dma_start3A_85 = arith.constant 0 : i32
      %dma_start3A_86 = tpu.memref_slice %arg5[%arg0, %add3A_70, %dma_start3A_85] : memref<2x10240x128xf32, #tpu.memory_space<hbm>> -> memref<1x80x128xf32, #tpu.memory_space<hbm>>
      %dma_start3A_87 = tpu.memref_squeeze %dma_start3A_86 : memref<1x80x128xf32, #tpu.memory_space<hbm>> -> memref<80x128xf32, #tpu.memory_space<hbm>>
      tpu.enqueue_dma source(%arg9 : memref<80x128xf32, #tpu.memory_space<vmem>>) target(%dma_start3A_87 : memref<80x128xf32, #tpu.memory_space<hbm>>) target_semaphore(%run_scoped3A : memref<!tpu.dma_semaphore, #tpu.memory_space<semaphore_mem>>)
      %dma_wait3A = arith.constant 0 : i32
      %dma_wait3A_88 = tpu.memref_slice %arg5[%arg0, %add3A_70, %dma_wait3A] : memref<2x10240x128xf32, #tpu.memory_space<hbm>> -> memref<1x80x128xf32, #tpu.memory_space<hbm>>
      %dma_wait3A_89 = tpu.memref_squeeze %dma_wait3A_88 : memref<1x80x128xf32, #tpu.memory_space<hbm>> -> memref<80x128xf32, #tpu.memory_space<hbm>>
      %dma_wait3A_90 = arith.constant 0 : i32
      %dma_wait3A_91 = tpu.memref_slice %arg5[%arg0, %add3A_70, %dma_wait3A_90] : memref<2x10240x128xf32, #tpu.memory_space<hbm>> -> memref<1x80x128xf32, #tpu.memory_space<hbm>>
      %dma_wait3A_92 = tpu.memref_squeeze %dma_wait3A_91 : memref<1x80x128xf32, #tpu.memory_space<hbm>> -> memref<80x128xf32, #tpu.memory_space<hbm>>
      tpu.wait_dma2 semaphore(%run_scoped3A : memref<!tpu.dma_semaphore, #tpu.memory_space<semaphore_mem>>) src(%arg9 : memref<80x128xf32, #tpu.memory_space<vmem>>) dst(%dma_wait3A_92 : memref<80x128xf32, #tpu.memory_space<hbm>>)
      tpu.yield
    }) : () -> ()
    %add3A_71 = arith.constant 160 : i32
    %add3A_72 = arith.addi %mul3A_4, %add3A_71 : i32
    "tpu.region"() ({
      %run_scoped3A = tpu.sem_alloc : memref<!tpu.dma_semaphore, #tpu.memory_space<semaphore_mem>>
      %dma_start3A = arith.constant 0 : i32
      %dma_start3A_83 = tpu.memref_slice %arg10[%add3A_72, %dma_start3A] : memref<10240x128xf32, #tpu.memory_space<vmem_shared>> -> memref<80x128xf32, #tpu.memory_space<vmem_shared>>
      %dma_start3A_84 = arith.constant 0 : i32
      %dma_start3A_85 = tpu.memref_slice %arg10[%add3A_72, %dma_start3A_84] : memref<10240x128xf32, #tpu.memory_space<vmem_shared>> -> memref<80x128xf32, #tpu.memory_space<vmem_shared>>
      tpu.enqueue_dma source(%dma_start3A_85 : memref<80x128xf32, #tpu.memory_space<vmem_shared>>) target(%arg9 : memref<80x128xf32, #tpu.memory_space<vmem>>) target_semaphore(%run_scoped3A : memref<!tpu.dma_semaphore, #tpu.memory_space<semaphore_mem>>)
      %dma_wait3A = arith.constant 0 : i32
      %dma_wait3A_86 = tpu.memref_slice %arg10[%add3A_72, %dma_wait3A] : memref<10240x128xf32, #tpu.memory_space<vmem_shared>> -> memref<80x128xf32, #tpu.memory_space<vmem_shared>>
      %dma_wait3A_87 = arith.constant 0 : i32
      %dma_wait3A_88 = tpu.memref_slice %arg10[%add3A_72, %dma_wait3A_87] : memref<10240x128xf32, #tpu.memory_space<vmem_shared>> -> memref<80x128xf32, #tpu.memory_space<vmem_shared>>
      tpu.wait_dma2 semaphore(%run_scoped3A : memref<!tpu.dma_semaphore, #tpu.memory_space<semaphore_mem>>) src(%dma_wait3A_88 : memref<80x128xf32, #tpu.memory_space<vmem_shared>>) dst(%arg9 : memref<80x128xf32, #tpu.memory_space<vmem>>)
      tpu.yield
    }) : () -> ()
    "tpu.region"() ({
      %run_scoped3A = tpu.sem_alloc : memref<!tpu.dma_semaphore, #tpu.memory_space<semaphore_mem>>
      %dma_start3A = arith.constant 0 : i32
      %dma_start3A_83 = tpu.memref_slice %arg5[%arg0, %add3A_72, %dma_start3A] : memref<2x10240x128xf32, #tpu.memory_space<hbm>> -> memref<1x80x128xf32, #tpu.memory_space<hbm>>
      %dma_start3A_84 = tpu.memref_squeeze %dma_start3A_83 : memref<1x80x128xf32, #tpu.memory_space<hbm>> -> memref<80x128xf32, #tpu.memory_space<hbm>>
      %dma_start3A_85 = arith.constant 0 : i32
      %dma_start3A_86 = tpu.memref_slice %arg5[%arg0, %add3A_72, %dma_start3A_85] : memref<2x10240x128xf32, #tpu.memory_space<hbm>> -> memref<1x80x128xf32, #tpu.memory_space<hbm>>
      %dma_start3A_87 = tpu.memref_squeeze %dma_start3A_86 : memref<1x80x128xf32, #tpu.memory_space<hbm>> -> memref<80x128xf32, #tpu.memory_space<hbm>>
      tpu.enqueue_dma source(%arg9 : memref<80x128xf32, #tpu.memory_space<vmem>>) target(%dma_start3A_87 : memref<80x128xf32, #tpu.memory_space<hbm>>) target_semaphore(%run_scoped3A : memref<!tpu.dma_semaphore, #tpu.memory_space<semaphore_mem>>)
      %dma_wait3A = arith.constant 0 : i32
      %dma_wait3A_88 = tpu.memref_slice %arg5[%arg0, %add3A_72, %dma_wait3A] : memref<2x10240x128xf32, #tpu.memory_space<hbm>> -> memref<1x80x128xf32, #tpu.memory_space<hbm>>
      %dma_wait3A_89 = tpu.memref_squeeze %dma_wait3A_88 : memref<1x80x128xf32, #tpu.memory_space<hbm>> -> memref<80x128xf32, #tpu.memory_space<hbm>>
      %dma_wait3A_90 = arith.constant 0 : i32
      %dma_wait3A_91 = tpu.memref_slice %arg5[%arg0, %add3A_72, %dma_wait3A_90] : memref<2x10240x128xf32, #tpu.memory_space<hbm>> -> memref<1x80x128xf32, #tpu.memory_space<hbm>>
      %dma_wait3A_92 = tpu.memref_squeeze %dma_wait3A_91 : memref<1x80x128xf32, #tpu.memory_space<hbm>> -> memref<80x128xf32, #tpu.memory_space<hbm>>
      tpu.wait_dma2 semaphore(%run_scoped3A : memref<!tpu.dma_semaphore, #tpu.memory_space<semaphore_mem>>) src(%arg9 : memref<80x128xf32, #tpu.memory_space<vmem>>) dst(%dma_wait3A_92 : memref<80x128xf32, #tpu.memory_space<hbm>>)
      tpu.yield
    }) : () -> ()
    %add3A_73 = arith.constant 240 : i32
    %add3A_74 = arith.addi %mul3A_4, %add3A_73 : i32
    "tpu.region"() ({
      %run_scoped3A = tpu.sem_alloc : memref<!tpu.dma_semaphore, #tpu.memory_space<semaphore_mem>>
      %dma_start3A = arith.constant 0 : i32
      %dma_start3A_83 = tpu.memref_slice %arg10[%add3A_74, %dma_start3A] : memref<10240x128xf32, #tpu.memory_space<vmem_shared>> -> memref<80x128xf32, #tpu.memory_space<vmem_shared>>
      %dma_start3A_84 = arith.constant 0 : i32
      %dma_start3A_85 = tpu.memref_slice %arg10[%add3A_74, %dma_start3A_84] : memref<10240x128xf32, #tpu.memory_space<vmem_shared>> -> memref<80x128xf32, #tpu.memory_space<vmem_shared>>
      tpu.enqueue_dma source(%dma_start3A_85 : memref<80x128xf32, #tpu.memory_space<vmem_shared>>) target(%arg9 : memref<80x128xf32, #tpu.memory_space<vmem>>) target_semaphore(%run_scoped3A : memref<!tpu.dma_semaphore, #tpu.memory_space<semaphore_mem>>)
      %dma_wait3A = arith.constant 0 : i32
      %dma_wait3A_86 = tpu.memref_slice %arg10[%add3A_74, %dma_wait3A] : memref<10240x128xf32, #tpu.memory_space<vmem_shared>> -> memref<80x128xf32, #tpu.memory_space<vmem_shared>>
      %dma_wait3A_87 = arith.constant 0 : i32
      %dma_wait3A_88 = tpu.memref_slice %arg10[%add3A_74, %dma_wait3A_87] : memref<10240x128xf32, #tpu.memory_space<vmem_shared>> -> memref<80x128xf32, #tpu.memory_space<vmem_shared>>
      tpu.wait_dma2 semaphore(%run_scoped3A : memref<!tpu.dma_semaphore, #tpu.memory_space<semaphore_mem>>) src(%dma_wait3A_88 : memref<80x128xf32, #tpu.memory_space<vmem_shared>>) dst(%arg9 : memref<80x128xf32, #tpu.memory_space<vmem>>)
      tpu.yield
    }) : () -> ()
    "tpu.region"() ({
      %run_scoped3A = tpu.sem_alloc : memref<!tpu.dma_semaphore, #tpu.memory_space<semaphore_mem>>
      %dma_start3A = arith.constant 0 : i32
      %dma_start3A_83 = tpu.memref_slice %arg5[%arg0, %add3A_74, %dma_start3A] : memref<2x10240x128xf32, #tpu.memory_space<hbm>> -> memref<1x80x128xf32, #tpu.memory_space<hbm>>
      %dma_start3A_84 = tpu.memref_squeeze %dma_start3A_83 : memref<1x80x128xf32, #tpu.memory_space<hbm>> -> memref<80x128xf32, #tpu.memory_space<hbm>>
      %dma_start3A_85 = arith.constant 0 : i32
      %dma_start3A_86 = tpu.memref_slice %arg5[%arg0, %add3A_74, %dma_start3A_85] : memref<2x10240x128xf32, #tpu.memory_space<hbm>> -> memref<1x80x128xf32, #tpu.memory_space<hbm>>
      %dma_start3A_87 = tpu.memref_squeeze %dma_start3A_86 : memref<1x80x128xf32, #tpu.memory_space<hbm>> -> memref<80x128xf32, #tpu.memory_space<hbm>>
      tpu.enqueue_dma source(%arg9 : memref<80x128xf32, #tpu.memory_space<vmem>>) target(%dma_start3A_87 : memref<80x128xf32, #tpu.memory_space<hbm>>) target_semaphore(%run_scoped3A : memref<!tpu.dma_semaphore, #tpu.memory_space<semaphore_mem>>)
      %dma_wait3A = arith.constant 0 : i32
      %dma_wait3A_88 = tpu.memref_slice %arg5[%arg0, %add3A_74, %dma_wait3A] : memref<2x10240x128xf32, #tpu.memory_space<hbm>> -> memref<1x80x128xf32, #tpu.memory_space<hbm>>
      %dma_wait3A_89 = tpu.memref_squeeze %dma_wait3A_88 : memref<1x80x128xf32, #tpu.memory_space<hbm>> -> memref<80x128xf32, #tpu.memory_space<hbm>>
      %dma_wait3A_90 = arith.constant 0 : i32
      %dma_wait3A_91 = tpu.memref_slice %arg5[%arg0, %add3A_74, %dma_wait3A_90] : memref<2x10240x128xf32, #tpu.memory_space<hbm>> -> memref<1x80x128xf32, #tpu.memory_space<hbm>>
      %dma_wait3A_92 = tpu.memref_squeeze %dma_wait3A_91 : memref<1x80x128xf32, #tpu.memory_space<hbm>> -> memref<80x128xf32, #tpu.memory_space<hbm>>
      tpu.wait_dma2 semaphore(%run_scoped3A : memref<!tpu.dma_semaphore, #tpu.memory_space<semaphore_mem>>) src(%arg9 : memref<80x128xf32, #tpu.memory_space<vmem>>) dst(%dma_wait3A_92 : memref<80x128xf32, #tpu.memory_space<hbm>>)
      tpu.yield
    }) : () -> ()
    %add3A_75 = arith.constant 320 : i32
    %add3A_76 = arith.addi %mul3A_4, %add3A_75 : i32
    "tpu.region"() ({
      %run_scoped3A = tpu.sem_alloc : memref<!tpu.dma_semaphore, #tpu.memory_space<semaphore_mem>>
      %dma_start3A = arith.constant 0 : i32
      %dma_start3A_83 = tpu.memref_slice %arg10[%add3A_76, %dma_start3A] : memref<10240x128xf32, #tpu.memory_space<vmem_shared>> -> memref<80x128xf32, #tpu.memory_space<vmem_shared>>
      %dma_start3A_84 = arith.constant 0 : i32
      %dma_start3A_85 = tpu.memref_slice %arg10[%add3A_76, %dma_start3A_84] : memref<10240x128xf32, #tpu.memory_space<vmem_shared>> -> memref<80x128xf32, #tpu.memory_space<vmem_shared>>
      tpu.enqueue_dma source(%dma_start3A_85 : memref<80x128xf32, #tpu.memory_space<vmem_shared>>) target(%arg9 : memref<80x128xf32, #tpu.memory_space<vmem>>) target_semaphore(%run_scoped3A : memref<!tpu.dma_semaphore, #tpu.memory_space<semaphore_mem>>)
      %dma_wait3A = arith.constant 0 : i32
      %dma_wait3A_86 = tpu.memref_slice %arg10[%add3A_76, %dma_wait3A] : memref<10240x128xf32, #tpu.memory_space<vmem_shared>> -> memref<80x128xf32, #tpu.memory_space<vmem_shared>>
      %dma_wait3A_87 = arith.constant 0 : i32
      %dma_wait3A_88 = tpu.memref_slice %arg10[%add3A_76, %dma_wait3A_87] : memref<10240x128xf32, #tpu.memory_space<vmem_shared>> -> memref<80x128xf32, #tpu.memory_space<vmem_shared>>
      tpu.wait_dma2 semaphore(%run_scoped3A : memref<!tpu.dma_semaphore, #tpu.memory_space<semaphore_mem>>) src(%dma_wait3A_88 : memref<80x128xf32, #tpu.memory_space<vmem_shared>>) dst(%arg9 : memref<80x128xf32, #tpu.memory_space<vmem>>)
      tpu.yield
    }) : () -> ()
    "tpu.region"() ({
      %run_scoped3A = tpu.sem_alloc : memref<!tpu.dma_semaphore, #tpu.memory_space<semaphore_mem>>
      %dma_start3A = arith.constant 0 : i32
      %dma_start3A_83 = tpu.memref_slice %arg5[%arg0, %add3A_76, %dma_start3A] : memref<2x10240x128xf32, #tpu.memory_space<hbm>> -> memref<1x80x128xf32, #tpu.memory_space<hbm>>
      %dma_start3A_84 = tpu.memref_squeeze %dma_start3A_83 : memref<1x80x128xf32, #tpu.memory_space<hbm>> -> memref<80x128xf32, #tpu.memory_space<hbm>>
      %dma_start3A_85 = arith.constant 0 : i32
      %dma_start3A_86 = tpu.memref_slice %arg5[%arg0, %add3A_76, %dma_start3A_85] : memref<2x10240x128xf32, #tpu.memory_space<hbm>> -> memref<1x80x128xf32, #tpu.memory_space<hbm>>
      %dma_start3A_87 = tpu.memref_squeeze %dma_start3A_86 : memref<1x80x128xf32, #tpu.memory_space<hbm>> -> memref<80x128xf32, #tpu.memory_space<hbm>>
      tpu.enqueue_dma source(%arg9 : memref<80x128xf32, #tpu.memory_space<vmem>>) target(%dma_start3A_87 : memref<80x128xf32, #tpu.memory_space<hbm>>) target_semaphore(%run_scoped3A : memref<!tpu.dma_semaphore, #tpu.memory_space<semaphore_mem>>)
      %dma_wait3A = arith.constant 0 : i32
      %dma_wait3A_88 = tpu.memref_slice %arg5[%arg0, %add3A_76, %dma_wait3A] : memref<2x10240x128xf32, #tpu.memory_space<hbm>> -> memref<1x80x128xf32, #tpu.memory_space<hbm>>
      %dma_wait3A_89 = tpu.memref_squeeze %dma_wait3A_88 : memref<1x80x128xf32, #tpu.memory_space<hbm>> -> memref<80x128xf32, #tpu.memory_space<hbm>>
      %dma_wait3A_90 = arith.constant 0 : i32
      %dma_wait3A_91 = tpu.memref_slice %arg5[%arg0, %add3A_76, %dma_wait3A_90] : memref<2x10240x128xf32, #tpu.memory_space<hbm>> -> memref<1x80x128xf32, #tpu.memory_space<hbm>>
      %dma_wait3A_92 = tpu.memref_squeeze %dma_wait3A_91 : memref<1x80x128xf32, #tpu.memory_space<hbm>> -> memref<80x128xf32, #tpu.memory_space<hbm>>
      tpu.wait_dma2 semaphore(%run_scoped3A : memref<!tpu.dma_semaphore, #tpu.memory_space<semaphore_mem>>) src(%arg9 : memref<80x128xf32, #tpu.memory_space<vmem>>) dst(%dma_wait3A_92 : memref<80x128xf32, #tpu.memory_space<hbm>>)
      tpu.yield
    }) : () -> ()
    %add3A_77 = arith.constant 400 : i32
    %add3A_78 = arith.addi %mul3A_4, %add3A_77 : i32
    "tpu.region"() ({
      %run_scoped3A = tpu.sem_alloc : memref<!tpu.dma_semaphore, #tpu.memory_space<semaphore_mem>>
      %dma_start3A = arith.constant 0 : i32
      %dma_start3A_83 = tpu.memref_slice %arg10[%add3A_78, %dma_start3A] : memref<10240x128xf32, #tpu.memory_space<vmem_shared>> -> memref<80x128xf32, #tpu.memory_space<vmem_shared>>
      %dma_start3A_84 = arith.constant 0 : i32
      %dma_start3A_85 = tpu.memref_slice %arg10[%add3A_78, %dma_start3A_84] : memref<10240x128xf32, #tpu.memory_space<vmem_shared>> -> memref<80x128xf32, #tpu.memory_space<vmem_shared>>
      tpu.enqueue_dma source(%dma_start3A_85 : memref<80x128xf32, #tpu.memory_space<vmem_shared>>) target(%arg9 : memref<80x128xf32, #tpu.memory_space<vmem>>) target_semaphore(%run_scoped3A : memref<!tpu.dma_semaphore, #tpu.memory_space<semaphore_mem>>)
      %dma_wait3A = arith.constant 0 : i32
      %dma_wait3A_86 = tpu.memref_slice %arg10[%add3A_78, %dma_wait3A] : memref<10240x128xf32, #tpu.memory_space<vmem_shared>> -> memref<80x128xf32, #tpu.memory_space<vmem_shared>>
      %dma_wait3A_87 = arith.constant 0 : i32
      %dma_wait3A_88 = tpu.memref_slice %arg10[%add3A_78, %dma_wait3A_87] : memref<10240x128xf32, #tpu.memory_space<vmem_shared>> -> memref<80x128xf32, #tpu.memory_space<vmem_shared>>
      tpu.wait_dma2 semaphore(%run_scoped3A : memref<!tpu.dma_semaphore, #tpu.memory_space<semaphore_mem>>) src(%dma_wait3A_88 : memref<80x128xf32, #tpu.memory_space<vmem_shared>>) dst(%arg9 : memref<80x128xf32, #tpu.memory_space<vmem>>)
      tpu.yield
    }) : () -> ()
    "tpu.region"() ({
      %run_scoped3A = tpu.sem_alloc : memref<!tpu.dma_semaphore, #tpu.memory_space<semaphore_mem>>
      %dma_start3A = arith.constant 0 : i32
      %dma_start3A_83 = tpu.memref_slice %arg5[%arg0, %add3A_78, %dma_start3A] : memref<2x10240x128xf32, #tpu.memory_space<hbm>> -> memref<1x80x128xf32, #tpu.memory_space<hbm>>
      %dma_start3A_84 = tpu.memref_squeeze %dma_start3A_83 : memref<1x80x128xf32, #tpu.memory_space<hbm>> -> memref<80x128xf32, #tpu.memory_space<hbm>>
      %dma_start3A_85 = arith.constant 0 : i32
      %dma_start3A_86 = tpu.memref_slice %arg5[%arg0, %add3A_78, %dma_start3A_85] : memref<2x10240x128xf32, #tpu.memory_space<hbm>> -> memref<1x80x128xf32, #tpu.memory_space<hbm>>
      %dma_start3A_87 = tpu.memref_squeeze %dma_start3A_86 : memref<1x80x128xf32, #tpu.memory_space<hbm>> -> memref<80x128xf32, #tpu.memory_space<hbm>>
      tpu.enqueue_dma source(%arg9 : memref<80x128xf32, #tpu.memory_space<vmem>>) target(%dma_start3A_87 : memref<80x128xf32, #tpu.memory_space<hbm>>) target_semaphore(%run_scoped3A : memref<!tpu.dma_semaphore, #tpu.memory_space<semaphore_mem>>)
      %dma_wait3A = arith.constant 0 : i32
      %dma_wait3A_88 = tpu.memref_slice %arg5[%arg0, %add3A_78, %dma_wait3A] : memref<2x10240x128xf32, #tpu.memory_space<hbm>> -> memref<1x80x128xf32, #tpu.memory_space<hbm>>
      %dma_wait3A_89 = tpu.memref_squeeze %dma_wait3A_88 : memref<1x80x128xf32, #tpu.memory_space<hbm>> -> memref<80x128xf32, #tpu.memory_space<hbm>>
      %dma_wait3A_90 = arith.constant 0 : i32
      %dma_wait3A_91 = tpu.memref_slice %arg5[%arg0, %add3A_78, %dma_wait3A_90] : memref<2x10240x128xf32, #tpu.memory_space<hbm>> -> memref<1x80x128xf32, #tpu.memory_space<hbm>>
      %dma_wait3A_92 = tpu.memref_squeeze %dma_wait3A_91 : memref<1x80x128xf32, #tpu.memory_space<hbm>> -> memref<80x128xf32, #tpu.memory_space<hbm>>
      tpu.wait_dma2 semaphore(%run_scoped3A : memref<!tpu.dma_semaphore, #tpu.memory_space<semaphore_mem>>) src(%arg9 : memref<80x128xf32, #tpu.memory_space<vmem>>) dst(%dma_wait3A_92 : memref<80x128xf32, #tpu.memory_space<hbm>>)
      tpu.yield
    }) : () -> ()
    %add3A_79 = arith.constant 480 : i32
    %add3A_80 = arith.addi %mul3A_4, %add3A_79 : i32
    "tpu.region"() ({
      %run_scoped3A = tpu.sem_alloc : memref<!tpu.dma_semaphore, #tpu.memory_space<semaphore_mem>>
      %dma_start3A = arith.constant 0 : i32
      %dma_start3A_83 = tpu.memref_slice %arg10[%add3A_80, %dma_start3A] : memref<10240x128xf32, #tpu.memory_space<vmem_shared>> -> memref<80x128xf32, #tpu.memory_space<vmem_shared>>
      %dma_start3A_84 = arith.constant 0 : i32
      %dma_start3A_85 = tpu.memref_slice %arg10[%add3A_80, %dma_start3A_84] : memref<10240x128xf32, #tpu.memory_space<vmem_shared>> -> memref<80x128xf32, #tpu.memory_space<vmem_shared>>
      tpu.enqueue_dma source(%dma_start3A_85 : memref<80x128xf32, #tpu.memory_space<vmem_shared>>) target(%arg9 : memref<80x128xf32, #tpu.memory_space<vmem>>) target_semaphore(%run_scoped3A : memref<!tpu.dma_semaphore, #tpu.memory_space<semaphore_mem>>)
      %dma_wait3A = arith.constant 0 : i32
      %dma_wait3A_86 = tpu.memref_slice %arg10[%add3A_80, %dma_wait3A] : memref<10240x128xf32, #tpu.memory_space<vmem_shared>> -> memref<80x128xf32, #tpu.memory_space<vmem_shared>>
      %dma_wait3A_87 = arith.constant 0 : i32
      %dma_wait3A_88 = tpu.memref_slice %arg10[%add3A_80, %dma_wait3A_87] : memref<10240x128xf32, #tpu.memory_space<vmem_shared>> -> memref<80x128xf32, #tpu.memory_space<vmem_shared>>
      tpu.wait_dma2 semaphore(%run_scoped3A : memref<!tpu.dma_semaphore, #tpu.memory_space<semaphore_mem>>) src(%dma_wait3A_88 : memref<80x128xf32, #tpu.memory_space<vmem_shared>>) dst(%arg9 : memref<80x128xf32, #tpu.memory_space<vmem>>)
      tpu.yield
    }) : () -> ()
    "tpu.region"() ({
      %run_scoped3A = tpu.sem_alloc : memref<!tpu.dma_semaphore, #tpu.memory_space<semaphore_mem>>
      %dma_start3A = arith.constant 0 : i32
      %dma_start3A_83 = tpu.memref_slice %arg5[%arg0, %add3A_80, %dma_start3A] : memref<2x10240x128xf32, #tpu.memory_space<hbm>> -> memref<1x80x128xf32, #tpu.memory_space<hbm>>
      %dma_start3A_84 = tpu.memref_squeeze %dma_start3A_83 : memref<1x80x128xf32, #tpu.memory_space<hbm>> -> memref<80x128xf32, #tpu.memory_space<hbm>>
      %dma_start3A_85 = arith.constant 0 : i32
      %dma_start3A_86 = tpu.memref_slice %arg5[%arg0, %add3A_80, %dma_start3A_85] : memref<2x10240x128xf32, #tpu.memory_space<hbm>> -> memref<1x80x128xf32, #tpu.memory_space<hbm>>
      %dma_start3A_87 = tpu.memref_squeeze %dma_start3A_86 : memref<1x80x128xf32, #tpu.memory_space<hbm>> -> memref<80x128xf32, #tpu.memory_space<hbm>>
      tpu.enqueue_dma source(%arg9 : memref<80x128xf32, #tpu.memory_space<vmem>>) target(%dma_start3A_87 : memref<80x128xf32, #tpu.memory_space<hbm>>) target_semaphore(%run_scoped3A : memref<!tpu.dma_semaphore, #tpu.memory_space<semaphore_mem>>)
      %dma_wait3A = arith.constant 0 : i32
      %dma_wait3A_88 = tpu.memref_slice %arg5[%arg0, %add3A_80, %dma_wait3A] : memref<2x10240x128xf32, #tpu.memory_space<hbm>> -> memref<1x80x128xf32, #tpu.memory_space<hbm>>
      %dma_wait3A_89 = tpu.memref_squeeze %dma_wait3A_88 : memref<1x80x128xf32, #tpu.memory_space<hbm>> -> memref<80x128xf32, #tpu.memory_space<hbm>>
      %dma_wait3A_90 = arith.constant 0 : i32
      %dma_wait3A_91 = tpu.memref_slice %arg5[%arg0, %add3A_80, %dma_wait3A_90] : memref<2x10240x128xf32, #tpu.memory_space<hbm>> -> memref<1x80x128xf32, #tpu.memory_space<hbm>>
      %dma_wait3A_92 = tpu.memref_squeeze %dma_wait3A_91 : memref<1x80x128xf32, #tpu.memory_space<hbm>> -> memref<80x128xf32, #tpu.memory_space<hbm>>
      tpu.wait_dma2 semaphore(%run_scoped3A : memref<!tpu.dma_semaphore, #tpu.memory_space<semaphore_mem>>) src(%arg9 : memref<80x128xf32, #tpu.memory_space<vmem>>) dst(%dma_wait3A_92 : memref<80x128xf32, #tpu.memory_space<hbm>>)
      tpu.yield
    }) : () -> ()
    %add3A_81 = arith.constant 560 : i32
    %add3A_82 = arith.addi %mul3A_4, %add3A_81 : i32
    "tpu.region"() ({
      %run_scoped3A = tpu.sem_alloc : memref<!tpu.dma_semaphore, #tpu.memory_space<semaphore_mem>>
      %dma_start3A = arith.constant 0 : i32
      %dma_start3A_83 = tpu.memref_slice %arg10[%add3A_82, %dma_start3A] : memref<10240x128xf32, #tpu.memory_space<vmem_shared>> -> memref<80x128xf32, #tpu.memory_space<vmem_shared>>
      %dma_start3A_84 = arith.constant 0 : i32
      %dma_start3A_85 = tpu.memref_slice %arg10[%add3A_82, %dma_start3A_84] : memref<10240x128xf32, #tpu.memory_space<vmem_shared>> -> memref<80x128xf32, #tpu.memory_space<vmem_shared>>
      tpu.enqueue_dma source(%dma_start3A_85 : memref<80x128xf32, #tpu.memory_space<vmem_shared>>) target(%arg9 : memref<80x128xf32, #tpu.memory_space<vmem>>) target_semaphore(%run_scoped3A : memref<!tpu.dma_semaphore, #tpu.memory_space<semaphore_mem>>)
      %dma_wait3A = arith.constant 0 : i32
      %dma_wait3A_86 = tpu.memref_slice %arg10[%add3A_82, %dma_wait3A] : memref<10240x128xf32, #tpu.memory_space<vmem_shared>> -> memref<80x128xf32, #tpu.memory_space<vmem_shared>>
      %dma_wait3A_87 = arith.constant 0 : i32
      %dma_wait3A_88 = tpu.memref_slice %arg10[%add3A_82, %dma_wait3A_87] : memref<10240x128xf32, #tpu.memory_space<vmem_shared>> -> memref<80x128xf32, #tpu.memory_space<vmem_shared>>
      tpu.wait_dma2 semaphore(%run_scoped3A : memref<!tpu.dma_semaphore, #tpu.memory_space<semaphore_mem>>) src(%dma_wait3A_88 : memref<80x128xf32, #tpu.memory_space<vmem_shared>>) dst(%arg9 : memref<80x128xf32, #tpu.memory_space<vmem>>)
      tpu.yield
    }) : () -> ()
    "tpu.region"() ({
      %run_scoped3A = tpu.sem_alloc : memref<!tpu.dma_semaphore, #tpu.memory_space<semaphore_mem>>
      %dma_start3A = arith.constant 0 : i32
      %dma_start3A_83 = tpu.memref_slice %arg5[%arg0, %add3A_82, %dma_start3A] : memref<2x10240x128xf32, #tpu.memory_space<hbm>> -> memref<1x80x128xf32, #tpu.memory_space<hbm>>
      %dma_start3A_84 = tpu.memref_squeeze %dma_start3A_83 : memref<1x80x128xf32, #tpu.memory_space<hbm>> -> memref<80x128xf32, #tpu.memory_space<hbm>>
      %dma_start3A_85 = arith.constant 0 : i32
      %dma_start3A_86 = tpu.memref_slice %arg5[%arg0, %add3A_82, %dma_start3A_85] : memref<2x10240x128xf32, #tpu.memory_space<hbm>> -> memref<1x80x128xf32, #tpu.memory_space<hbm>>
      %dma_start3A_87 = tpu.memref_squeeze %dma_start3A_86 : memref<1x80x128xf32, #tpu.memory_space<hbm>> -> memref<80x128xf32, #tpu.memory_space<hbm>>
      tpu.enqueue_dma source(%arg9 : memref<80x128xf32, #tpu.memory_space<vmem>>) target(%dma_start3A_87 : memref<80x128xf32, #tpu.memory_space<hbm>>) target_semaphore(%run_scoped3A : memref<!tpu.dma_semaphore, #tpu.memory_space<semaphore_mem>>)
      %dma_wait3A = arith.constant 0 : i32
      %dma_wait3A_88 = tpu.memref_slice %arg5[%arg0, %add3A_82, %dma_wait3A] : memref<2x10240x128xf32, #tpu.memory_space<hbm>> -> memref<1x80x128xf32, #tpu.memory_space<hbm>>
      %dma_wait3A_89 = tpu.memref_squeeze %dma_wait3A_88 : memref<1x80x128xf32, #tpu.memory_space<hbm>> -> memref<80x128xf32, #tpu.memory_space<hbm>>
      %dma_wait3A_90 = arith.constant 0 : i32
      %dma_wait3A_91 = tpu.memref_slice %arg5[%arg0, %add3A_82, %dma_wait3A_90] : memref<2x10240x128xf32, #tpu.memory_space<hbm>> -> memref<1x80x128xf32, #tpu.memory_space<hbm>>
      %dma_wait3A_92 = tpu.memref_squeeze %dma_wait3A_91 : memref<1x80x128xf32, #tpu.memory_space<hbm>> -> memref<80x128xf32, #tpu.memory_space<hbm>>
      tpu.wait_dma2 semaphore(%run_scoped3A : memref<!tpu.dma_semaphore, #tpu.memory_space<semaphore_mem>>) src(%arg9 : memref<80x128xf32, #tpu.memory_space<vmem>>) dst(%dma_wait3A_92 : memref<80x128xf32, #tpu.memory_space<hbm>>)
      tpu.yield
    }) : () -> ()
    "tpu.region"() ({
      %run_scoped3A = tpu.sem_alloc : memref<!tpu.dma_semaphore, #tpu.memory_space<semaphore_mem>>
      %dma_start3A = tpu.memref_slice %arg14[%mul3A_4] : memref<10240xf32, #tpu.memory_space<vmem_shared>> -> memref<640xf32, #tpu.memory_space<vmem_shared>>
      %dma_start3A_83 = tpu.memref_slice %arg14[%mul3A_4] : memref<10240xf32, #tpu.memory_space<vmem_shared>> -> memref<640xf32, #tpu.memory_space<vmem_shared>>
      tpu.enqueue_dma source(%dma_start3A_83 : memref<640xf32, #tpu.memory_space<vmem_shared>>) target(%arg13 : memref<640xf32, #tpu.memory_space<vmem>>) target_semaphore(%run_scoped3A : memref<!tpu.dma_semaphore, #tpu.memory_space<semaphore_mem>>)
      %dma_wait3A = tpu.memref_slice %arg14[%mul3A_4] : memref<10240xf32, #tpu.memory_space<vmem_shared>> -> memref<640xf32, #tpu.memory_space<vmem_shared>>
      %dma_wait3A_84 = tpu.memref_slice %arg14[%mul3A_4] : memref<10240xf32, #tpu.memory_space<vmem_shared>> -> memref<640xf32, #tpu.memory_space<vmem_shared>>
      tpu.wait_dma2 semaphore(%run_scoped3A : memref<!tpu.dma_semaphore, #tpu.memory_space<semaphore_mem>>) src(%dma_wait3A_84 : memref<640xf32, #tpu.memory_space<vmem_shared>>) dst(%arg13 : memref<640xf32, #tpu.memory_space<vmem>>)
      tpu.yield
    }) : () -> ()
    "tpu.region"() ({
      %run_scoped3A = tpu.sem_alloc : memref<!tpu.dma_semaphore, #tpu.memory_space<semaphore_mem>>
      %dma_start3A = tpu.memref_slice %arg6[%arg0, %mul3A_4] : memref<2x10240xf32, #tpu.memory_space<hbm>> -> memref<1x640xf32, #tpu.memory_space<hbm>>
      %dma_start3A_83 = tpu.memref_squeeze %dma_start3A : memref<1x640xf32, #tpu.memory_space<hbm>> -> memref<640xf32, #tpu.memory_space<hbm>>
      %dma_start3A_84 = tpu.memref_slice %arg6[%arg0, %mul3A_4] : memref<2x10240xf32, #tpu.memory_space<hbm>> -> memref<1x640xf32, #tpu.memory_space<hbm>>
      %dma_start3A_85 = tpu.memref_squeeze %dma_start3A_84 : memref<1x640xf32, #tpu.memory_space<hbm>> -> memref<640xf32, #tpu.memory_space<hbm>>
      tpu.enqueue_dma source(%arg13 : memref<640xf32, #tpu.memory_space<vmem>>) target(%dma_start3A_85 : memref<640xf32, #tpu.memory_space<hbm>>) target_semaphore(%run_scoped3A : memref<!tpu.dma_semaphore, #tpu.memory_space<semaphore_mem>>)
      %dma_wait3A = tpu.memref_slice %arg6[%arg0, %mul3A_4] : memref<2x10240xf32, #tpu.memory_space<hbm>> -> memref<1x640xf32, #tpu.memory_space<hbm>>
      %dma_wait3A_86 = tpu.memref_squeeze %dma_wait3A : memref<1x640xf32, #tpu.memory_space<hbm>> -> memref<640xf32, #tpu.memory_space<hbm>>
      %dma_wait3A_87 = tpu.memref_slice %arg6[%arg0, %mul3A_4] : memref<2x10240xf32, #tpu.memory_space<hbm>> -> memref<1x640xf32, #tpu.memory_space<hbm>>
      %dma_wait3A_88 = tpu.memref_squeeze %dma_wait3A_87 : memref<1x640xf32, #tpu.memory_space<hbm>> -> memref<640xf32, #tpu.memory_space<hbm>>
      tpu.wait_dma2 semaphore(%run_scoped3A : memref<!tpu.dma_semaphore, #tpu.memory_space<semaphore_mem>>) src(%arg13 : memref<640xf32, #tpu.memory_space<vmem>>) dst(%dma_wait3A_88 : memref<640xf32, #tpu.memory_space<hbm>>)
      tpu.yield
    }) : () -> ()
    return
  }
}

module attributes {stable_mosaic.version = 14 : i64} {
  func.func @_mm1_body(%arg0: i32, %arg1: memref<400x128xf32, #tpu.memory_space<vmem>>, %arg2: memref<128x128xf32, #tpu.memory_space<vmem>>, %arg3: memref<128x128xf32, #tpu.memory_space<vmem>>, %arg4: memref<1x128xf32, #tpu.memory_space<vmem>>, %arg5: memref<400x128xf32, #tpu.memory_space<vmem>>, %arg6: memref<400x128xf32, #tpu.memory_space<vmem>>) attributes {dimension_semantics = [#tpu.dimension_semantics<arbitrary>], iteration_bounds = array<i64: 25>, scalar_prefetch = 0 : i64, scratch_operands = 0 : i64, tpu.core_type = #tpu.core_type<tc>, window_params = [{transform_indices = @transform_0, window_bounds = array<i64: 400, 128>}, {pipeline_mode = #tpu.pipeline_mode<synchronous>, transform_indices = @transform_1, window_bounds = array<i64: 128, 128>}, {pipeline_mode = #tpu.pipeline_mode<synchronous>, transform_indices = @transform_2, window_bounds = array<i64: 128, 128>}, {pipeline_mode = #tpu.pipeline_mode<synchronous>, transform_indices = @transform_3, window_bounds = array<i64: 1, 128>}, {transform_indices = @transform_4, window_bounds = array<i64: 400, 128>}, {transform_indices = @transform_5, window_bounds = array<i64: 400, 128>}]} {
    %get3A = arith.constant 0 : index
    %get3A_0 = arith.constant 0 : index
    %get3A_1 = vector.load %arg1[%get3A, %get3A_0] : memref<400x128xf32, #tpu.memory_space<vmem>>, vector<400x128xf32>
    %get3A_2 = arith.constant 0 : index
    %get3A_3 = arith.constant 0 : index
    %get3A_4 = vector.load %arg2[%get3A_2, %get3A_3] : memref<128x128xf32, #tpu.memory_space<vmem>>, vector<128x128xf32>
    %dot_general3A = arith.constant dense<0.000000e+00> : vector<400x128xf32>
    %dot_general3A_5 = tpu.matmul %get3A_1, %get3A_4, %dot_general3A {dimension_numbers = #tpu.dot_dimension_numbers<[1], [1], [0], [0], [0, 0, 1, 0], [], []>, transpose_lhs_hint = false} : vector<400x128xf32>, vector<128x128xf32>, vector<400x128xf32> -> vector<400x128xf32>
    %swap3A = arith.constant 0 : index
    %swap3A_6 = arith.constant 0 : index
    %swap3A_7 = vector.load %arg5[%swap3A, %swap3A_6] : memref<400x128xf32, #tpu.memory_space<vmem>>, vector<400x128xf32>
    tpu.vector_store %arg5[%swap3A, %swap3A_6], %dot_general3A_5 {strides = array<i32>} : memref<400x128xf32, #tpu.memory_space<vmem>>, vector<400x128xf32>,
    %get3A_8 = arith.constant 0 : index
    %get3A_9 = arith.constant 0 : index
    %get3A_10 = vector.load %arg3[%get3A_8, %get3A_9] : memref<128x128xf32, #tpu.memory_space<vmem>>, vector<128x128xf32>
    %dot_general3A_11 = arith.constant dense<0.000000e+00> : vector<400x128xf32>
    %dot_general3A_12 = tpu.matmul %get3A_1, %get3A_10, %dot_general3A_11 {dimension_numbers = #tpu.dot_dimension_numbers<[1], [1], [0], [0], [0, 0, 1, 0], [], []>, transpose_lhs_hint = false} : vector<400x128xf32>, vector<128x128xf32>, vector<400x128xf32> -> vector<400x128xf32>
    %get3A_13 = arith.constant 0 : index
    %get3A_14 = arith.constant 0 : index
    %get3A_15 = vector.load %arg4[%get3A_13, %get3A_14] : memref<1x128xf32, #tpu.memory_space<vmem>>, vector<1x128xf32>
    %add3A = vector.broadcast %get3A_15 : vector<1x128xf32> to vector<400x128xf32>
    %add3A_16 = arith.addf %dot_general3A_12, %add3A : vector<400x128xf32>
    %swap3A_17 = arith.constant 0 : index
    %swap3A_18 = arith.constant 0 : index
    %swap3A_19 = vector.load %arg6[%swap3A_17, %swap3A_18] : memref<400x128xf32, #tpu.memory_space<vmem>>, vector<400x128xf32>
    tpu.vector_store %arg6[%swap3A_17, %swap3A_18], %add3A_16 {strides = array<i32>} : memref<400x128xf32, #tpu.memory_space<vmem>>, vector<400x128xf32>,
    return
  }
  func.func @transform_0(%arg0: i32) -> (i32, i32) {
    %c0_i32 = arith.constant 0 : i32
    %c0_i32_0 = arith.constant 0 : i32
    return %arg0, %c0_i32 : i32, i32
  }
  func.func @transform_1(%arg0: i32) -> (i32, i32) {
    %c0_i32 = arith.constant 0 : i32
    %c0_i32_0 = arith.constant 0 : i32
    %c0_i32_1 = arith.constant 0 : i32
    return %c0_i32, %c0_i32_0 : i32, i32
  }
  func.func @transform_2(%arg0: i32) -> (i32, i32) {
    %c0_i32 = arith.constant 0 : i32
    %c0_i32_0 = arith.constant 0 : i32
    %c0_i32_1 = arith.constant 0 : i32
    return %c0_i32, %c0_i32_0 : i32, i32
  }
  func.func @transform_3(%arg0: i32) -> (i32, i32) {
    %c0_i32 = arith.constant 0 : i32
    %c0_i32_0 = arith.constant 0 : i32
    %c0_i32_1 = arith.constant 0 : i32
    return %c0_i32, %c0_i32_0 : i32, i32
  }
  func.func @transform_4(%arg0: i32) -> (i32, i32) {
    %c0_i32 = arith.constant 0 : i32
    %c0_i32_0 = arith.constant 0 : i32
    return %arg0, %c0_i32 : i32, i32
  }
  func.func @transform_5(%arg0: i32) -> (i32, i32) {
    %c0_i32 = arith.constant 0 : i32
    %c0_i32_0 = arith.constant 0 : i32
    return %arg0, %c0_i32 : i32, i32
  }
}

module attributes {stable_mosaic.version = 14 : i64} {
  func.func @_mm2_body(%arg0: i32, %arg1: memref<2x400x128xf32, #tpu.memory_space<vmem>>, %arg2: memref<2x400x1xf32, #tpu.memory_space<vmem>>, %arg3: memref<400x128xf32, #tpu.memory_space<vmem>>, %arg4: memref<128x128xf32, #tpu.memory_space<vmem>>, %arg5: memref<128x128xf32, #tpu.memory_space<vmem>>, %arg6: memref<1x128xf32, #tpu.memory_space<vmem>>, %arg7: memref<400x128xf32, #tpu.memory_space<vmem>>, %arg8: memref<400x128xf32, #tpu.memory_space<vmem>>) attributes {dimension_semantics = [#tpu.dimension_semantics<arbitrary>], iteration_bounds = array<i64: 25>, scalar_prefetch = 0 : i64, scratch_operands = 0 : i64, tpu.core_type = #tpu.core_type<tc>, window_params = [{transform_indices = @transform_0, window_bounds = array<i64: 2, 400, 128>}, {transform_indices = @transform_1, window_bounds = array<i64: 2, 400, 1>}, {transform_indices = @transform_2, window_bounds = array<i64: 400, 128>}, {pipeline_mode = #tpu.pipeline_mode<synchronous>, transform_indices = @transform_3, window_bounds = array<i64: 128, 128>}, {pipeline_mode = #tpu.pipeline_mode<synchronous>, transform_indices = @transform_4, window_bounds = array<i64: 128, 128>}, {pipeline_mode = #tpu.pipeline_mode<synchronous>, transform_indices = @transform_5, window_bounds = array<i64: 1, 128>}, {transform_indices = @transform_6, window_bounds = array<i64: 400, 128>}, {transform_indices = @transform_7, window_bounds = array<i64: 400, 128>}]} {
    %get3A = arith.constant 0 : index
    %get3A_0 = arith.constant 0 : index
    %get3A_1 = arith.constant 0 : index
    %get3A_2 = vector.load %arg1[%get3A, %get3A_0, %get3A_1] : memref<2x400x128xf32, #tpu.memory_space<vmem>>, vector<1x400x128xf32>
    %get3A_3 = vector.shape_cast %get3A_2 : vector<1x400x128xf32> to vector<400x128xf32>
    %get3A_4 = arith.constant 1 : index
    %get3A_5 = arith.constant 0 : index
    %get3A_6 = arith.constant 0 : index
    %get3A_7 = vector.load %arg1[%get3A_4, %get3A_5, %get3A_6] : memref<2x400x128xf32, #tpu.memory_space<vmem>>, vector<1x400x128xf32>
    %get3A_8 = vector.shape_cast %get3A_7 : vector<1x400x128xf32> to vector<400x128xf32>
    %add3A = arith.addf %get3A_3, %get3A_8 : vector<400x128xf32>
    %get3A_9 = arith.constant 0 : index
    %get3A_10 = arith.constant 0 : index
    %get3A_11 = arith.constant 0 : index
    %get3A_12 = vector.load %arg2[%get3A_9, %get3A_10, %get3A_11] : memref<2x400x1xf32, #tpu.memory_space<vmem>>, vector<1x400x1xf32>
    %get3A_13 = vector.shape_cast %get3A_12 : vector<1x400x1xf32> to vector<400x1xf32>
    %get3A_14 = arith.constant 1 : index
    %get3A_15 = arith.constant 0 : index
    %get3A_16 = arith.constant 0 : index
    %get3A_17 = vector.load %arg2[%get3A_14, %get3A_15, %get3A_16] : memref<2x400x1xf32, #tpu.memory_space<vmem>>, vector<1x400x1xf32>
    %get3A_18 = vector.shape_cast %get3A_17 : vector<1x400x1xf32> to vector<400x1xf32>
    %add3A_19 = arith.addf %get3A_13, %get3A_18 : vector<400x1xf32>
    %max3A = arith.constant 1.000000e+00 : f32
    %max3A_20 = vector.broadcast %max3A : f32 to vector<400x1xf32>
    %max3A_21 = arith.maximumf %add3A_19, %max3A_20 : vector<400x1xf32>
    %div3A = arith.constant 1.000000e+00 : f32
    %div3A_22 = vector.broadcast %div3A : f32 to vector<400x1xf32>
    %div3A_23 = arith.divf %div3A_22, %max3A_21 : vector<400x1xf32>
    %mul3A = vector.broadcast %div3A_23 : vector<400x1xf32> to vector<400x128xf32>
    %mul3A_24 = arith.mulf %add3A, %mul3A : vector<400x128xf32>
    %get3A_25 = arith.constant 0 : index
    %get3A_26 = arith.constant 0 : index
    %get3A_27 = vector.load %arg3[%get3A_25, %get3A_26] : memref<400x128xf32, #tpu.memory_space<vmem>>, vector<400x128xf32>
    %add3A_28 = arith.addf %mul3A_24, %get3A_27 : vector<400x128xf32>
    %max3A_29 = arith.constant 0.000000e+00 : f32
    %max3A_30 = vector.broadcast %max3A_29 : f32 to vector<400x128xf32>
    %max3A_31 = arith.maximumf %add3A_28, %max3A_30 : vector<400x128xf32>
    %get3A_32 = arith.constant 0 : index
    %get3A_33 = arith.constant 0 : index
    %get3A_34 = vector.load %arg4[%get3A_32, %get3A_33] : memref<128x128xf32, #tpu.memory_space<vmem>>, vector<128x128xf32>
    %dot_general3A = arith.constant dense<0.000000e+00> : vector<400x128xf32>
    %dot_general3A_35 = tpu.matmul %max3A_31, %get3A_34, %dot_general3A {dimension_numbers = #tpu.dot_dimension_numbers<[1], [1], [0], [0], [0, 0, 1, 0], [], []>, transpose_lhs_hint = false} : vector<400x128xf32>, vector<128x128xf32>, vector<400x128xf32> -> vector<400x128xf32>
    %swap3A = arith.constant 0 : index
    %swap3A_36 = arith.constant 0 : index
    %swap3A_37 = vector.load %arg7[%swap3A, %swap3A_36] : memref<400x128xf32, #tpu.memory_space<vmem>>, vector<400x128xf32>
    tpu.vector_store %arg7[%swap3A, %swap3A_36], %dot_general3A_35 {strides = array<i32>} : memref<400x128xf32, #tpu.memory_space<vmem>>, vector<400x128xf32>,
    %get3A_38 = arith.constant 0 : index
    %get3A_39 = arith.constant 0 : index
    %get3A_40 = vector.load %arg5[%get3A_38, %get3A_39] : memref<128x128xf32, #tpu.memory_space<vmem>>, vector<128x128xf32>
    %dot_general3A_41 = arith.constant dense<0.000000e+00> : vector<400x128xf32>
    %dot_general3A_42 = tpu.matmul %max3A_31, %get3A_40, %dot_general3A_41 {dimension_numbers = #tpu.dot_dimension_numbers<[1], [1], [0], [0], [0, 0, 1, 0], [], []>, transpose_lhs_hint = false} : vector<400x128xf32>, vector<128x128xf32>, vector<400x128xf32> -> vector<400x128xf32>
    %get3A_43 = arith.constant 0 : index
    %get3A_44 = arith.constant 0 : index
    %get3A_45 = vector.load %arg6[%get3A_43, %get3A_44] : memref<1x128xf32, #tpu.memory_space<vmem>>, vector<1x128xf32>
    %add3A_46 = vector.broadcast %get3A_45 : vector<1x128xf32> to vector<400x128xf32>
    %add3A_47 = arith.addf %dot_general3A_42, %add3A_46 : vector<400x128xf32>
    %swap3A_48 = arith.constant 0 : index
    %swap3A_49 = arith.constant 0 : index
    %swap3A_50 = vector.load %arg8[%swap3A_48, %swap3A_49] : memref<400x128xf32, #tpu.memory_space<vmem>>, vector<400x128xf32>
    tpu.vector_store %arg8[%swap3A_48, %swap3A_49], %add3A_47 {strides = array<i32>} : memref<400x128xf32, #tpu.memory_space<vmem>>, vector<400x128xf32>,
    return
  }
  func.func @transform_0(%arg0: i32) -> (i32, i32, i32) {
    %c0_i32 = arith.constant 0 : i32
    %c0_i32_0 = arith.constant 0 : i32
    %c0_i32_1 = arith.constant 0 : i32
    return %c0_i32, %arg0, %c0_i32_0 : i32, i32, i32
  }
  func.func @transform_1(%arg0: i32) -> (i32, i32, i32) {
    %c0_i32 = arith.constant 0 : i32
    %c0_i32_0 = arith.constant 0 : i32
    %c0_i32_1 = arith.constant 0 : i32
    return %c0_i32, %arg0, %c0_i32_0 : i32, i32, i32
  }
  func.func @transform_2(%arg0: i32) -> (i32, i32) {
    %c0_i32 = arith.constant 0 : i32
    %c0_i32_0 = arith.constant 0 : i32
    return %arg0, %c0_i32 : i32, i32
  }
  func.func @transform_3(%arg0: i32) -> (i32, i32) {
    %c0_i32 = arith.constant 0 : i32
    %c0_i32_0 = arith.constant 0 : i32
    %c0_i32_1 = arith.constant 0 : i32
    return %c0_i32, %c0_i32_0 : i32, i32
  }
  func.func @transform_4(%arg0: i32) -> (i32, i32) {
    %c0_i32 = arith.constant 0 : i32
    %c0_i32_0 = arith.constant 0 : i32
    %c0_i32_1 = arith.constant 0 : i32
    return %c0_i32, %c0_i32_0 : i32, i32
  }
  func.func @transform_5(%arg0: i32) -> (i32, i32) {
    %c0_i32 = arith.constant 0 : i32
    %c0_i32_0 = arith.constant 0 : i32
    %c0_i32_1 = arith.constant 0 : i32
    return %c0_i32, %c0_i32_0 : i32, i32
  }
  func.func @transform_6(%arg0: i32) -> (i32, i32) {
    %c0_i32 = arith.constant 0 : i32
    %c0_i32_0 = arith.constant 0 : i32
    return %arg0, %c0_i32 : i32, i32
  }
  func.func @transform_7(%arg0: i32) -> (i32, i32) {
    %c0_i32 = arith.constant 0 : i32
    %c0_i32_0 = arith.constant 0 : i32
    return %arg0, %c0_i32 : i32, i32
  }
}

module attributes {stable_mosaic.version = 14 : i64} {
  func.func @_fin_body(%arg0: i32, %arg1: memref<2x400x128xf32, #tpu.memory_space<vmem>>, %arg2: memref<2x400x1xf32, #tpu.memory_space<vmem>>, %arg3: memref<400x128xf32, #tpu.memory_space<vmem>>, %arg4: memref<400x128xf32, #tpu.memory_space<vmem>>) attributes {dimension_semantics = [#tpu.dimension_semantics<arbitrary>], iteration_bounds = array<i64: 25>, scalar_prefetch = 0 : i64, scratch_operands = 0 : i64, tpu.core_type = #tpu.core_type<tc>, window_params = [{transform_indices = @transform_0, window_bounds = array<i64: 2, 400, 128>}, {transform_indices = @transform_1, window_bounds = array<i64: 2, 400, 1>}, {transform_indices = @transform_2, window_bounds = array<i64: 400, 128>}, {transform_indices = @transform_3, window_bounds = array<i64: 400, 128>}]} {
    %get3A = arith.constant 0 : index
    %get3A_0 = arith.constant 0 : index
    %get3A_1 = arith.constant 0 : index
    %get3A_2 = vector.load %arg1[%get3A, %get3A_0, %get3A_1] : memref<2x400x128xf32, #tpu.memory_space<vmem>>, vector<1x400x128xf32>
    %get3A_3 = vector.shape_cast %get3A_2 : vector<1x400x128xf32> to vector<400x128xf32>
    %get3A_4 = arith.constant 1 : index
    %get3A_5 = arith.constant 0 : index
    %get3A_6 = arith.constant 0 : index
    %get3A_7 = vector.load %arg1[%get3A_4, %get3A_5, %get3A_6] : memref<2x400x128xf32, #tpu.memory_space<vmem>>, vector<1x400x128xf32>
    %get3A_8 = vector.shape_cast %get3A_7 : vector<1x400x128xf32> to vector<400x128xf32>
    %add3A = arith.addf %get3A_3, %get3A_8 : vector<400x128xf32>
    %get3A_9 = arith.constant 0 : index
    %get3A_10 = arith.constant 0 : index
    %get3A_11 = arith.constant 0 : index
    %get3A_12 = vector.load %arg2[%get3A_9, %get3A_10, %get3A_11] : memref<2x400x1xf32, #tpu.memory_space<vmem>>, vector<1x400x1xf32>
    %get3A_13 = vector.shape_cast %get3A_12 : vector<1x400x1xf32> to vector<400x1xf32>
    %get3A_14 = arith.constant 1 : index
    %get3A_15 = arith.constant 0 : index
    %get3A_16 = arith.constant 0 : index
    %get3A_17 = vector.load %arg2[%get3A_14, %get3A_15, %get3A_16] : memref<2x400x1xf32, #tpu.memory_space<vmem>>, vector<1x400x1xf32>
    %get3A_18 = vector.shape_cast %get3A_17 : vector<1x400x1xf32> to vector<400x1xf32>
    %add3A_19 = arith.addf %get3A_13, %get3A_18 : vector<400x1xf32>
    %max3A = arith.constant 1.000000e+00 : f32
    %max3A_20 = vector.broadcast %max3A : f32 to vector<400x1xf32>
    %max3A_21 = arith.maximumf %add3A_19, %max3A_20 : vector<400x1xf32>
    %div3A = arith.constant 1.000000e+00 : f32
    %div3A_22 = vector.broadcast %div3A : f32 to vector<400x1xf32>
    %div3A_23 = arith.divf %div3A_22, %max3A_21 : vector<400x1xf32>
    %mul3A = vector.broadcast %div3A_23 : vector<400x1xf32> to vector<400x128xf32>
    %mul3A_24 = arith.mulf %add3A, %mul3A : vector<400x128xf32>
    %get3A_25 = arith.constant 0 : index
    %get3A_26 = arith.constant 0 : index
    %get3A_27 = vector.load %arg3[%get3A_25, %get3A_26] : memref<400x128xf32, #tpu.memory_space<vmem>>, vector<400x128xf32>
    %add3A_28 = arith.addf %mul3A_24, %get3A_27 : vector<400x128xf32>
    %swap3A = arith.constant 0 : index
    %swap3A_29 = arith.constant 0 : index
    %swap3A_30 = vector.load %arg4[%swap3A, %swap3A_29] : memref<400x128xf32, #tpu.memory_space<vmem>>, vector<400x128xf32>
    tpu.vector_store %arg4[%swap3A, %swap3A_29], %add3A_28 {strides = array<i32>} : memref<400x128xf32, #tpu.memory_space<vmem>>, vector<400x128xf32>,
    return
  }
  func.func @transform_0(%arg0: i32) -> (i32, i32, i32) {
    %c0_i32 = arith.constant 0 : i32
    %c0_i32_0 = arith.constant 0 : i32
    %c0_i32_1 = arith.constant 0 : i32
    return %c0_i32, %arg0, %c0_i32_0 : i32, i32, i32
  }
  func.func @transform_1(%arg0: i32) -> (i32, i32, i32) {
    %c0_i32 = arith.constant 0 : i32
    %c0_i32_0 = arith.constant 0 : i32
    %c0_i32_1 = arith.constant 0 : i32
    return %c0_i32, %arg0, %c0_i32_0 : i32, i32, i32
  }
  func.func @transform_2(%arg0: i32) -> (i32, i32) {
    %c0_i32 = arith.constant 0 : i32
    %c0_i32_0 = arith.constant 0 : i32
    return %arg0, %c0_i32 : i32, i32
  }
  func.func @transform_3(%arg0: i32) -> (i32, i32) {
    %c0_i32 = arith.constant 0 : i32
    %c0_i32_0 = arith.constant 0 : i32
    return %arg0, %c0_i32 : i32, i32
  }
}

</mosaic_0001>

<sc_bundles>
// kernel: kernel.10.cloned.1.call-start
scs
__scs_entry_jumppad:
0x0: {  	(pc) =	sbr.rel $0x88, $3  }
0x1: {  	(tag) =	ssettag $0x0;
	lr =	simm.s32 $0x1  }
0x2: {  	[smem:$0x3F99] =	sst lr;
	_ =	strace $0xD0000000  }
0x3: {  	_ = 	snop  }
0x4: {  	_ = 	snop  }
0x5: {  	_ = 	snop  }
0x6: {  	_ = 	snop  }
0x7: {  	_ = 	snop  }
__scs_overlays_trampoline_lowered:
0x8: {  	[smem:$0x3FA8] =	sst s0  }
0x9: {  	[smem:$0x3FA9] =	sst s1  }
0xa: {  	[smem:$0x3FAA] =	sst s2  }
0xb: {  	[smem:$0x3FAB] =	sst s3  }
0xc: {  	[smem:$0x3FAC] =	sst s4  }
0xd: {  	[smem:$0x3FAD] =	sst s5  }
0xe: {  	[smem:$0x3FAE] =	sst s6  }
0xf: {  	[smem:$0x3FAF] =	sst s7  }
0x10: {  	[smem:$0x3FB0] =	sst s8  }
0x11: {  	[smem:$0x3FB1] =	sst s9;
	s0 =	simm.s32 @!p0 $0x0  }
0x12: {  	s1 =	sld [smem:$0x3F97];
	s0 =	simm.s32 @p0 $0x1  }
0x13: {  	[smem:$0x3FB2] =	sst s0;
	s0 =	simm.s32 @!p1 $0x0  }
0x14: {  	s2 =	sld [smem:$0x3F96];
	s0 =	simm.s32 @p1 $0x1  }
0x15: {  	[smem:$0x3FB3] =	sst s0;
	s0 =	simm.s32 @!p2 $0x0  }
0x16: {  	s3 =	sld [smem:$0x3FDB];
	s0 =	simm.s32 @p2 $0x1  }
0x17: {  	s4 =	simm.s32 $0x1BF5;
	[smem:$0x3FB5] =	sst s0  }
0x18: {  	s0 =	sld [smem:$0x3F98];
	_ =	swait.ge [sflag:s4], $0x0  }
0x19: {  	s7 =	sld [smem:$0x3F99]  }
0x1a: {  	s8 =	sadd.s32 $0xFFFFE003, lr  }
0x1b: {  	s9 =	sadd.s32 $0xFFFFFEF7, lr;
	s5 =	simm.s32 $0xFFFFFFFF;
	p2 =	slt.u32 s8, $0xFFFFF086  }
0x1c: {  	p1 =	slt.u32 s9, $0xF7A;
	s5 =	simm.s32 @!p2 $0x0  }
0x1d: {  	s5 =	simm.s32 @p1 $0x1;
	p0 =	seq.s32 s7, s2  }
0x1e: {  	s7 =	smul.u32 @!p0 $0xF7A, s2;
	p2 =	seq.s32 @!p0 s5, $0x0  }
0x1f: {  	s9 =	smul.u32 $0xF7A, s1;
	s8 =	simm.s32 @!p0 $0x1BF5;
	p2 =	por !p2, p0  }
0x20: {  	[sflag:s8] =	ssyncset.s32 @!p0 $0xFFFFF086;
	s6 =	sadd.s32 @!p0 s3, s7;
	s7 =	simm.s32 @!p0 $0x108  }
0x21: {  	s3 =	sadd.s32 s3, s9;
	s6 =	sadd.s32 @!p0 $0x88, s6;
	s7 =	simm.s32 @p2 $0x1082  }
0x22: {  	[simem:s7], [sflag:s8] =	dma.local @!p0 [hbm:s6], $0xF7A  }
0x23: {  	s9 =	sor.u32 $0xD0000000, s2;
	s6 =	simm.s32 $0x108;
	_ =	swait.ge @!p0 [sflag:s8], $0x0  }
0x24: {  	s3 =	sadd.s32 $0x88, s3;
	s6 =	simm.s32 @!p1 $0x1082;
	[sflag:s4] =	ssyncset.s32 $0xFFFFF086  }
0x25: {  	[simem:s6], [sflag:s4] =	dma.local [hbm:s3], $0xF7A  }
0x26: {  	[smem:$0x3F99] =	sst s1;
	(tag) =	ssettag s2;
	_ =	strace s9  }
0x27: {  	s1 =	sld [smem:$0x3FA9]  }
0x28: {  	s2 =	sld [smem:$0x3FAA]  }
0x29: {  	s4 =	sld [smem:$0x3FAC]  }
0x2a: {  	p0 =	seq.s32 s5, $0x0;
	s5 =	sld [smem:$0x3FAD]  }
0x2b: {  	s6 =	sld [smem:$0x3FAE]  }
0x2c: {  	s7 =	sld [smem:$0x3FAF]  }
0x2d: {  	s3 =	simm.s32 $0x108;
	s8 =	sld [smem:$0x3FB0]  }
0x2e: {  	s3 =	simm.s32 @!p0 $0x1082;
	s9 =	sld [smem:$0x3FB1]  }
0x2f: {  	lr =	sadd.s32 s0, s3;
	s0 =	sld [smem:$0x3FA8]  }
0x30: {  	s3 =	sld [smem:$0x3FAB]  }
0x31: {  	[smem:$0x3FB4] =	sst s10  }
0x32: {  	s10 =	sld [smem:$0x3FB2];
	_ =	sdelay $0x3  }
0x33: {  	p0 =	seq.s32 s10, $0x1;
	s10 =	sld [smem:$0x3FB4];
	_ =	sdelay $0x3  }
0x34: {  	[smem:$0x3FB4] =	sst s10  }
0x35: {  	s10 =	sld [smem:$0x3FB3];
	_ =	sdelay $0x3  }
0x36: {  	p1 =	seq.s32 s10, $0x1;
	s10 =	sld [smem:$0x3FB4];
	_ =	sdelay $0x3  }
0x37: {  	[smem:$0x3FB4] =	sst s10  }
0x38: {  	s10 =	sld [smem:$0x3FB5]  }
0x39: {  	_ = 	snop;
	(pc) =	sbr.ind lr, $3  }
0x3a: {  	_ = 	snop  }
0x3b: {  	_ = 	snop  }
0x3c: {  	p2 =	seq.s32 s10, $0x1;
	s10 =	sld [smem:$0x3FB4]  }
0x3d: {  	_ =	shalt  }
0x3e: {  	_ =	shalt  }
0x3f: {  	_ =	shalt  }
0x40: {  	_ =	shalt  }
0x41: {  	_ =	shalt  }
0x42: {  	_ =	shalt  }
0x43: {  	_ =	shalt  }
0x44: {  	_ =	shalt  }
0x45: {  	_ =	shalt  }
0x46: {  	_ =	shalt  }
0x47: {  	_ =	shalt  }
0x48: {  	_ =	shalt  }
0x49: {  	_ =	shalt  }
0x4a: {  	_ =	shalt  }
0x4b: {  	_ =	shalt  }
0x4c: {  	_ =	shalt  }
0x4d: {  	_ =	shalt  }
0x4e: {  	_ =	shalt  }
0x4f: {  	_ =	shalt  }
0x50: {  	_ =	shalt  }
0x51: {  	_ =	shalt  }
0x52: {  	_ =	shalt  }
0x53: {  	_ =	shalt  }
0x54: {  	_ =	shalt  }
0x55: {  	_ =	shalt  }
0x56: {  	_ =	shalt  }
0x57: {  	_ =	shalt  }
0x58: {  	_ =	shalt  }
0x59: {  	_ =	shalt  }
0x5a: {  	_ =	shalt  }
0x5b: {  	_ =	shalt  }
0x5c: {  	_ =	shalt  }
0x5d: {  	_ =	shalt  }
0x5e: {  	_ =	shalt  }
0x5f: {  	_ =	shalt  }
0x60: {  	_ =	shalt  }
0x61: {  	_ =	shalt  }
0x62: {  	_ =	shalt  }
0x63: {  	_ =	shalt  }
0x64: {  	_ =	shalt  }
0x65: {  	_ =	shalt  }
0x66: {  	_ =	shalt  }
0x67: {  	_ =	shalt  }
0x68: {  	_ =	shalt  }
0x69: {  	_ =	shalt  }
0x6a: {  	_ =	shalt  }
0x6b: {  	_ =	shalt  }
0x6c: {  	_ =	shalt  }
0x6d: {  	_ =	shalt  }
0x6e: {  	_ =	shalt  }
0x6f: {  	_ =	shalt  }
0x70: {  	_ =	shalt  }
0x71: {  	_ =	shalt  }
0x72: {  	_ =	shalt  }
0x73: {  	_ =	shalt  }
0x74: {  	_ =	shalt  }
0x75: {  	_ =	shalt  }
0x76: {  	_ =	shalt  }
0x77: {  	_ =	shalt  }
0x78: {  	_ =	shalt  }
0x79: {  	_ =	shalt  }
0x7a: {  	_ =	shalt  }
0x7b: {  	_ =	shalt  }
0x7c: {  	_ =	shalt  }
0x7d: {  	_ =	shalt  }
0x7e: {  	_ =	shalt  }
0x7f: {  	_ =	shalt  }
0x80: {  	_ =	shalt  }
0x81: {  	_ =	shalt  }
0x82: {  	_ =	shalt  }
0x83: {  	_ =	shalt  }
0x84: {  	_ =	shalt  }
0x85: {  	_ =	shalt  }
0x86: {  	_ =	shalt  }
0x87: {  	_ =	shalt  }
.Lfunc_end0:
.L_simem_size_0:
called_computation.1_lowered:
.L_overlay_start_0:
0x88: {  	s2 =	sld [smem:$0x3FD9]  }
0x89: {  	s3 =	sld [smem:$0x3FFE];
	_ =	sdelay $0x1  }
0x8a: {  	s1 =	srdreg.scid  }
0x8b: {  	s0 =	sand.u32 $0x1, s1  }
0x8c: {  	s17 =	sshll.u32 s0, $0xA;
	s2 =	sadd.s32 s3, s2  }
0x8d: {  	s2 =	sadd.s32 s2, s17  }
0x8e: {  	[smem:$0x3FC0] =	sst s2  }
0x8f: {  	_ = 	snop  }
0x90: {  	s2 =	sld [smem:$0x3FD0];
	(tm) =	ssettm $0x1  }
0x91: {  	s18 =	sld [smem:$0x3FFB];
	_ =	sdelay $0x3  }
0x92: {  	_ =	strace s18  }
0x93: {  	s3 =	sld [smem:$0x3FFC];
	_ =	sdelay $0x3  }
0x94: {  	_ =	strace s3  }
0x95: {  	s3 =	sld [smem:$0x3FFD];
	_ =	sdelay $0x3  }
0x96: {  	_ =	strace s3  }
0x97: {  	_ =	strace $0x8FFFFFFF  }
0x98: {  	s19 =	sld [smem:$0x3FDB];
	_ =	sdelay $0x1  }
0x99: {  	s4 =	simm.s32 $_scs_section_size  }
0x9a: {  	s5 =	simm.s32 $_size__tile_overlayer_lowered;
	s6 =	simm.s32 $_tile_overlayer_lowered  }
0x9b: {  	s22 =	simm.s32 $0x1BFF;
	s21 =	sshll.u32 s6, $0x1;
	s3 =	sadd.s32 s4, s19  }
0x9c: {  	s7 =	simm.s32 $0x0;
	s20 =	sshll.u32 s5, $0x1;
	s5 =	sadd.s32 s21, s3  }
0x9d: {  	[timem:s7], [sflag:s22] =	dma.local [hbm:s5], s20  }
0x9e: {  	_ =	swait.ge [sflag:s22], s20  }
0x9f: {  	s4 =	ssub.s32 $0x0, s20;
	[sflag:s22] =	ssyncset.done $0x0  }
0xa0: {  	[sflag:s22] =	ssyncadd.s32 s4;
	_ =	sdelay $0x1  }
0xa1: {  	s23 =	simm.s32 $0x1B8B  }
0xa2: {  	_ =	swait.ge [sflag:s23], $0x1  }
0xa3: {  	[sflag:s23] =	ssyncset.done $0x0  }
0xa4: {  	s25 =	simm.s32 $0x1B8E;
	s24 =	sld [smem:$0x3FFE];
	[sflag:s23] =	ssyncadd.s32 $0xFFFFFFFF  }
0xa5: {  	s26 =	simm.s32 $execute0_lowered;
	[smem:$0x3FD2] =	sst s25  }
0xa6: {  	s5 =	sshll.u32 s26, $0x1;
	_ =	strace $0x80000049;
	[dreg:$0x1] =	wrdreg $0xFFFFFFFF  }
0xa7: {  	s28 =	simm.s32 $_size_execute0_lowered;
	s3 =	sadd.s32 s3, s5;
	[dreg:$0x0] =	wrdreg $0x0  }
0xa8: {  	s5 =	sshll.u32 s28, $0x1;
	[dreg:$0x2] =	wrdreg s3  }
0xa9: {  	[dreg:$0x3] =	wrdreg s5  }
0xaa: {  	[dreg:$0x4] =	wrdreg $0xC0  }
0xab: {  	_ =	task [dreg:s7], $0x5FFFF  }
0xac: {  	[dreg:$0x1] =	wrdreg $0xFFFFFFFF  }
0xad: {  	[dreg:$0x0] =	wrdreg $0x60  }
0xae: {  	[dreg:$0x2] =	wrdreg s24  }
0xaf: {  	[dreg:$0x3] =	wrdreg s2  }
0xb0: {  	[dreg:$0x4] =	wrdreg $0x29000  }
0xb1: {  	[dreg:$0x5] =	wrdreg $0x9  }
0xb2: {  	_ =	task.clear_ibuf [dreg:s7], $0x6FFFF;
	_ =	strace $0x90000049  }
0xb3: {  	s29 =	simm.s32 $0x9;
	_ =	strace $0x8000004B  }
0xb4: {  	_ =	swait.ge [sflag:s29], $0x1  }
0xb5: {  	[sflag:s29] =	ssyncadd.s32 $0xFFFFFFFF  }
0xb6: {  	_ =	strace $0x9000004B  }
0xb7: {  	_ =	sfence  }
0xb8: {  	s30 =	sld [smem:$0x0];
	_ =	sdelay $0x2  }
0xb9: {  	s31 =	sshll.u32 s1, $0xD;
	s1 =	sshrl.u32 s1, $0x2  }
0xba: {  	s3 =	sand.u32 $0x4000, s31;
	s1 =	sadd.s32 s1, s30  }
0xbb: {  	s0 =	sor.u32 s3, s0;
	s1 =	sshll.u32 s1, $0x11  }
0xbc: {  	s0 =	sor.u32 s1, s0  }
0xbd: {  	s0 =	sadd.s32 $0x8F2B, s0  }
0xbe: {  	[sflag:s0] =	ssyncadd.remote.s32 $0x1  }
0xbf: {  	_ =	sfence.sel $0xFFFF  }
0xc0: {  	[dreg:$0x0] =	wrdreg $0xFFFFFFFF;
	(pc) =	sbr.abs _section_cstart, $3  }
0xc1: {  	[dreg:$0x1] =	wrdreg $0xFFFFFFFF  }
0xc2: {  	_ =	task.clear_ibuf [dreg:s7], $0x2FFFF;
	_ =	strace $0x9FFFFFFF  }
0xc3: {  	(tm) =	ssettm $0x7FFFFFFF  }
tec
execute0_lowered:
.L_overlay_start_1:
0x0: {  	(tag) =	ssettag $0x1  }
0x1: {  	s1 =	rddreg [dreg:$0x0];
	s2 =	srdreg.scid  }
0x2: {  	s0 =	stileid.u32;
	s22 =	rddreg [dreg:$0x1]  }
0x3: {  	s3 =	simm.s32 $0x0;
	s29 =	simm.s32 $0x1;
	s4 =	smul.u32 $0x4E20, s0  }
0x4: {  	s9 =	sand.u32 $0x1, s2;
	s2 =	rddreg [dreg:$0x2];
	s19 =	smul.u32 $0x50000, s0  }
0x5: {  	s30 =	simm.s32 $0x0;
	[smem:$0x7FF] =	sst s3;
	s12 =	smul.u32 $0x14000, s0  }
0x6: {  	s5 =	smul.u32 $0x2710, s9;
	_ =	strace $0x8000004A;
	s6 =	ssub.s32 $0x2, s9  }
0x7: {  	s18 =	smul.u32 $0x140000, s9;
	s7 =	sshrl.u32 s6, $0x1;
	s13 =	sor.u32 $0x2800, s12  }
0x8: {  	s14 =	sadd.s32 $0x5000, s12;
	s15 =	sadd.s32 $0x7800, s12;
	s16 =	sadd.s32 $0xA000, s12  }
0x9: {  	s17 =	sadd.s32 $0xC800, s12;
	s4 =	sadd.s32 s5, s4;
	s5 =	sshrl.u32 s19, $0x2  }
0xa: {  	s21 =	ssub.s32 s6, s7;
	s6 =	sadd.s32 s13, s2;
	s7 =	sadd.s32 s14, s2  }
0xb: {  	s8 =	sadd.s32 s15, s2;
	s9 =	sadd.s32 s16, s2;
	s10 =	sadd.s32 s17, s2  }
0xc: {  	s19 =	sadd.s32 $0xF000, s12;
	s20 =	sadd.s32 s12, s18;
	s13 =	sadd.s32 s18, s13  }
0xd: {  	s12 =	sadd.s32 $0x11800, s12;
	s26 =	sadd.s32 s18, s14;
	s15 =	sadd.s32 s18, s15  }
0xe: {  	s16 =	sadd.s32 s18, s16;
	s28 =	sadd.s32 s18, s17;
	s23 =	sshrl.u32 s4, $0x3  }
0xf: {  	s4 =	sadd.s32 $0xB400, s1;
	s5 =	sadd.s32 s5, s2;
	s11 =	sadd.s32 s19, s2  }
0x10: {  	s20 =	sshrl.u32 s20, $0x3;
	s25 =	sshrl.u32 s13, $0x3;
	s19 =	sadd.s32 s18, s19  }
0x11: {  	s18 =	sadd.s32 s18, s12;
	s12 =	sadd.s32 s12, s2;
	s0 =	sshrl.u32 s26, $0x3  }
0x12: {  	s13 =	sshrl.u32 s15, $0x3;
	s14 =	sshrl.u32 s16, $0x3;
	s26 =	sshrl.u32 s28, $0x3  }
0x13: {  	s21 =	smax.u32 s21, $0x1;
	s28 =	simm.s32 $0x50;
	s24 =	sadd.s32 s23, s1  }
0x14: {  	s1 =	sadd.s32 $0x32600, s1;
	s19 =	sshrl.u32 s19, $0x3;
	s22 =	sadd.s32 s23, s22  }
0x15: {  	s20 =	sadd.s32 s1, s20;
	s31 =	sadd.s32 s1, s25;
	s15 =	sadd.s32 s1, s0  }
0x16: {  	s16 =	sadd.s32 s1, s13;
	s17 =	sadd.s32 s1, s14;
	s19 =	sadd.s32 s1, s19  }
0x17: {  	s23 =	sadd.s32 $0x1600, s24;
	s24 =	simm.s32 $0x100;
	[dreg:$0x4] =	wrdreg s20  }
0x18: {  	s25 =	simm.s32 $0x2;
	[dreg:$0x5] =	wrdreg s31;
	s31 =	sshrl.u32 s18, $0x3  }
0x19: {  	v0 =	vimm.f32 $0.0e+00;
	s18 =	sadd.s32 s1, s26;
	s26 =	simm.s32 $0x80;
	s20 =	sadd.s32 s1, s31  }
.LBB2_1:
0x1a: {  	s31 =	simm.s32 $0x0;
	s1 =	simm.s32 $0x200  }
.LBB2_2:
0x1b: {  	p0 =	sne.s32 s1, $0x9E00;
	[tilespmem:s31+$0x170] =	vst v0  }
0x1c: {  	[tilespmem:s31+$0x100] =	vst v0  }
0x1d: {  	[tilespmem:s31+$0x110] =	vst v0  }
.Ltmp0:
0x1e: {  	[tilespmem:s31+$0x120] =	vst v0;
	(pc) =	sbr.rel @p0 .LBB2_2-.Ltmp0, $4  }
0x1f: {  	[tilespmem:s31+$0x130] =	vst v0  }
0x20: {  	[tilespmem:s31+$0x140] =	vst v0  }
0x21: {  	[tilespmem:s31+$0x150] =	vst v0  }
0x22: {  	[tilespmem:s31+$0x160] =	vst v0;
	s31 =	sshra.s32 s1, $0x2;
	s1 =	sadd.s32 $0x200, s1  }
0x23: {  	[tilespmem:s31+$0x170] =	vst v0  }
0x24: {  	[tilespmem:s31+$0x100] =	vst v0  }
0x25: {  	[tilespmem:s31+$0x110] =	vst v0  }
0x26: {  	[tilespmem:s31+$0x120] =	vst v0  }
0x27: {  	[tilespmem:s31+$0x130] =	vst v0  }
0x28: {  	[tilespmem:s31+$0x140] =	vst v0  }
0x29: {  	[tilespmem:s31+$0x150] =	vst v0  }
0x2a: {  	[tilespmem:s31+$0x160] =	vst v0  }
0x2b: {  	[spmem:s5] =	stream.linear.scatter [tilespmem:s24], [sflag:$0x2], $0x2800, $0x38;
	[tilespmem:$0x16900] =	vst v63  }
0x2c: {  	_ =	swait.ge [sflag:s25], $0x2800  }
0x2d: {  	[sflag:s25] =	ssyncset.done $0x0  }
0x2e: {  	[sflag:s25] =	ssyncadd.s32 $0xFFFFD800  }
0x2f: {  	[spmem:s6] =	stream.linear.scatter [tilespmem:s24], [sflag:$0x2], $0x2800, $0x38;
	[tilespmem:$0x16900] =	vst v63  }
0x30: {  	_ =	swait.ge [sflag:s25], $0x2800  }
0x31: {  	[sflag:s25] =	ssyncset.done $0x0  }
0x32: {  	[sflag:s25] =	ssyncadd.s32 $0xFFFFD800  }
0x33: {  	[spmem:s7] =	stream.linear.scatter [tilespmem:s24], [sflag:$0x2], $0x2800, $0x38;
	[tilespmem:$0x16900] =	vst v63  }
0x34: {  	_ =	swait.ge [sflag:s25], $0x2800  }
0x35: {  	[sflag:s25] =	ssyncset.done $0x0  }
0x36: {  	[sflag:s25] =	ssyncadd.s32 $0xFFFFD800  }
0x37: {  	[spmem:s8] =	stream.linear.scatter [tilespmem:s24], [sflag:$0x2], $0x2800, $0x38;
	[tilespmem:$0x16900] =	vst v63  }
0x38: {  	_ =	swait.ge [sflag:s25], $0x2800  }
0x39: {  	[sflag:s25] =	ssyncset.done $0x0  }
0x3a: {  	[sflag:s25] =	ssyncadd.s32 $0xFFFFD800  }
0x3b: {  	[spmem:s9] =	stream.linear.scatter [tilespmem:s24], [sflag:$0x2], $0x2800, $0x38;
	[tilespmem:$0x16900] =	vst v63  }
0x3c: {  	_ =	swait.ge [sflag:s25], $0x2800  }
0x3d: {  	[sflag:s25] =	ssyncset.done $0x0  }
0x3e: {  	[sflag:s25] =	ssyncadd.s32 $0xFFFFD800  }
0x3f: {  	[spmem:s10] =	stream.linear.scatter [tilespmem:s24], [sflag:$0x2], $0x2800, $0x38;
	[tilespmem:$0x16900] =	vst v63  }
0x40: {  	_ =	swait.ge [sflag:s25], $0x2800  }
0x41: {  	[sflag:s25] =	ssyncset.done $0x0  }
0x42: {  	[sflag:s25] =	ssyncadd.s32 $0xFFFFD800  }
0x43: {  	[spmem:s11] =	stream.linear.scatter [tilespmem:s24], [sflag:$0x2], $0x2800, $0x38;
	[tilespmem:$0x16900] =	vst v63  }
0x44: {  	_ =	swait.ge [sflag:s25], $0x2800  }
0x45: {  	[sflag:s25] =	ssyncset.done $0x0  }
0x46: {  	[sflag:s25] =	ssyncadd.s32 $0xFFFFD800  }
0x47: {  	[spmem:s12] =	stream.linear.scatter [tilespmem:s24], [sflag:$0x2], $0x2800, $0x38;
	[tilespmem:$0x16900] =	vst v63  }
0x48: {  	_ =	swait.ge [sflag:s25], $0x2800  }
0x49: {  	[sflag:s25] =	ssyncset.done $0x0  }
0x4a: {  	[sflag:s25] =	ssyncadd.s32 $0xFFFFD800  }
0x4b: {  	s1 =	sadd.s32 $0x0, s23;
	[bflag:$0x0] =	sbarrier.arrive $0xFFFF  }
0x4c: {  	[tilespmem:s3], [sflag:$0x2] =	stream.linear.gather [hbm4b:s1+s3], $0x50, $0x38;
	[tilespmem:$0x16900] =	vst v63  }
0x4d: {  	_ =	swait.ge [sflag:s25], $0x50  }
0x4e: {  	[sflag:s25] =	ssyncset.done $0x0  }
0x4f: {  	s14 =	sadd.s32 $0x0, s22;
	[sflag:s25] =	ssyncadd.s32 $0xFFFFFFB0  }
0x50: {  	[tilespmem:s26], [sflag:$0x2] =	stream.linear.gather [hbm4b:s14+s3], $0x50, $0x38;
	[tilespmem:$0x16900] =	vst v63  }
0x51: {  	_ =	swait.ge [sflag:s25], $0x50  }
0x52: {  	[sflag:s25] =	ssyncset.done $0x0  }
0x53: {  	[sflag:s25] =	ssyncadd.s32 $0xFFFFFFB0  }
0x54: {  	[tilespmem:s24], [sflag:$0x1] =	stream.indirect.gather [hbm4b:s4+s28], $0x80, s3, s28, $0xb8;
	[tilespmem:$0x16900] =	vst v63  }
0x55: {  	_ =	swait.ge [sflag:s29], $0x2800  }
0x56: {  	[sflag:s29] =	ssyncset.done $0x0  }
0x57: {  	[sflag:s29] =	ssyncadd.s32 $0xFFFFD800  }
0x58: {  	[spmem:s2] =	stream.indirect.scatter.add.f32 [tilespmem:s24], [sflag:$0x2], $0x80, s26, s28, $0xb8;
	[tilespmem:$0x16900] =	vst v63  }
0x59: {  	_ =	swait.ge [sflag:s25], $0x2800  }
0x5a: {  	s31 =	simm.s32 $0xA;
	s1 =	simm.s32 $0x14;
	[sflag:s25] =	ssyncset.done $0x0  }
.LBB2_4:
0x5b: {  	s0 =	sadd.s32 s31, s23  }
0x5c: {  	[sflag:s25] =	ssyncadd.s32 $0xFFFFD800;
	s13 =	smov.u32 s1;
	s14 =	sadd.s32 $0xA, s1  }
0x5d: {  	[tilespmem:s3], [sflag:$0x2] =	stream.linear.gather [hbm4b:s0+s3], $0x50, $0x38;
	[tilespmem:$0x16900] =	vst v63  }
0x5e: {  	p0 =	sne.s32 s1, $0x4D8;
	_ =	swait.ge [sflag:s25], $0x50  }
0x5f: {  	[sflag:s25] =	ssyncset.done $0x0  }
0x60: {  	s0 =	sadd.s32 s31, s22;
	s31 =	smov.u32 s13;
	[sflag:s25] =	ssyncadd.s32 $0xFFFFFFB0  }
0x61: {  	[tilespmem:s26], [sflag:$0x2] =	stream.linear.gather [hbm4b:s0+s3], $0x50, $0x38;
	[tilespmem:$0x16900] =	vst v63  }
0x62: {  	_ =	swait.ge [sflag:s25], $0x50  }
0x63: {  	[sflag:s25] =	ssyncset.done $0x0  }
0x64: {  	[sflag:s25] =	ssyncadd.s32 $0xFFFFFFB0  }
0x65: {  	[tilespmem:s24], [sflag:$0x1] =	stream.indirect.gather [hbm4b:s4+s28], $0x80, s3, s28, $0xb8;
	[tilespmem:$0x16900] =	vst v63  }
0x66: {  	_ =	swait.ge [sflag:s29], $0x2800  }
.Ltmp1:
0x67: {  	[sflag:s29] =	ssyncset.done $0x0;
	(pc) =	sbr.rel @p0 .LBB2_4-.Ltmp1, $4  }
0x68: {  	[sflag:s29] =	ssyncadd.s32 $0xFFFFD800  }
0x69: {  	[spmem:s2] =	stream.indirect.scatter.add.f32 [tilespmem:s24], [sflag:$0x2], $0x80, s26, s28, $0xb8;
	[tilespmem:$0x16900] =	vst v63  }
0x6a: {  	_ =	swait.ge [sflag:s25], $0x2800  }
0x6b: {  	s1 =	smov.u32 s14;
	[sflag:s25] =	ssyncset.done $0x0  }
0x6c: {  	s0 =	sadd.s32 s31, s23;
	[sflag:s25] =	ssyncadd.s32 $0xFFFFD800  }
0x6d: {  	[tilespmem:s3], [sflag:$0x2] =	stream.linear.gather [hbm4b:s0+s3], $0x50, $0x38;
	[tilespmem:$0x16900] =	vst v63  }
0x6e: {  	_ =	swait.ge [sflag:s25], $0x50  }
0x6f: {  	[sflag:s25] =	ssyncset.done $0x0  }
0x70: {  	s13 =	sadd.s32 s31, s22;
	[sflag:s25] =	ssyncadd.s32 $0xFFFFFFB0  }
0x71: {  	[tilespmem:s26], [sflag:$0x2] =	stream.linear.gather [hbm4b:s13+s3], $0x50, $0x38;
	[tilespmem:$0x16900] =	vst v63  }
0x72: {  	_ =	swait.ge [sflag:s25], $0x50  }
0x73: {  	[sflag:s25] =	ssyncset.done $0x0  }
0x74: {  	[sflag:s25] =	ssyncadd.s32 $0xFFFFFFB0  }
0x75: {  	[tilespmem:s24], [sflag:$0x1] =	stream.indirect.gather [hbm4b:s4+s28], $0x80, s3, s28, $0xb8;
	[tilespmem:$0x16900] =	vst v63  }
0x76: {  	_ =	swait.ge [sflag:s29], $0x2800  }
0x77: {  	[sflag:s29] =	ssyncset.done $0x0  }
0x78: {  	[sflag:s29] =	ssyncadd.s32 $0xFFFFD800  }
0x79: {  	[spmem:s2] =	stream.indirect.scatter.add.f32 [tilespmem:s24], [sflag:$0x2], $0x80, s26, s28, $0xb8;
	[tilespmem:$0x16900] =	vst v63  }
0x7a: {  	_ =	swait.ge [sflag:s25], $0x2800  }
0x7b: {  	[sflag:s25] =	ssyncset.done $0x0  }
0x7c: {  	[sflag:s25] =	ssyncadd.s32 $0xFFFFD800  }
0x7d: {  	[bflag:$0x0] =	sbarrier.arrive $0xFFFF  }
0x7e: {  	[tilespmem:s24], [sflag:$0x2] =	stream.linear.gather [spmem:s5], $0x2800, $0x38;
	[tilespmem:$0x16900] =	vst v63  }
0x7f: {  	_ =	swait.ge [sflag:s25], $0x2800  }
0x80: {  	[sflag:s25] =	ssyncset.done $0x0  }
0x81: {  	s14 =	rddreg [dreg:$0x4];
	[sflag:s25] =	ssyncadd.s32 $0xFFFFD800  }
0x82: {  	[hbm4b:s14+s3] =	stream.linear.scatter [tilespmem:s24], [sflag:$0x2], $0x2800, $0x38;
	[tilespmem:$0x16900] =	vst v63  }
0x83: {  	_ =	swait.ge [sflag:s25], $0x2800  }
0x84: {  	[sflag:s25] =	ssyncset.done $0x0  }
0x85: {  	[sflag:s25] =	ssyncadd.s32 $0xFFFFD800  }
0x86: {  	[tilespmem:s24], [sflag:$0x2] =	stream.linear.gather [spmem:s6], $0x2800, $0x38;
	[tilespmem:$0x16900] =	vst v63  }
0x87: {  	_ =	swait.ge [sflag:s25], $0x2800  }
0x88: {  	[sflag:s25] =	ssyncset.done $0x0  }
0x89: {  	s31 =	rddreg [dreg:$0x5];
	[sflag:s25] =	ssyncadd.s32 $0xFFFFD800  }
0x8a: {  	[hbm4b:s31+s3] =	stream.linear.scatter [tilespmem:s24], [sflag:$0x2], $0x2800, $0x38;
	[tilespmem:$0x16900] =	vst v63  }
0x8b: {  	_ =	swait.ge [sflag:s25], $0x2800  }
0x8c: {  	[sflag:s25] =	ssyncset.done $0x0  }
0x8d: {  	[sflag:s25] =	ssyncadd.s32 $0xFFFFD800  }
0x8e: {  	[tilespmem:s24], [sflag:$0x2] =	stream.linear.gather [spmem:s7], $0x2800, $0x38;
	[tilespmem:$0x16900] =	vst v63  }
0x8f: {  	_ =	swait.ge [sflag:s25], $0x2800  }
0x90: {  	[sflag:s25] =	ssyncset.done $0x0  }
0x91: {  	[sflag:s25] =	ssyncadd.s32 $0xFFFFD800  }
0x92: {  	[hbm4b:s15+s3] =	stream.linear.scatter [tilespmem:s24], [sflag:$0x2], $0x2800, $0x38;
	[tilespmem:$0x16900] =	vst v63  }
0x93: {  	_ =	swait.ge [sflag:s25], $0x2800  }
0x94: {  	[sflag:s25] =	ssyncset.done $0x0  }
0x95: {  	[sflag:s25] =	ssyncadd.s32 $0xFFFFD800  }
0x96: {  	[tilespmem:s24], [sflag:$0x2] =	stream.linear.gather [spmem:s8], $0x2800, $0x38;
	[tilespmem:$0x16900] =	vst v63  }
0x97: {  	_ =	swait.ge [sflag:s25], $0x2800  }
0x98: {  	[sflag:s25] =	ssyncset.done $0x0  }
0x99: {  	[sflag:s25] =	ssyncadd.s32 $0xFFFFD800  }
0x9a: {  	[hbm4b:s16+s3] =	stream.linear.scatter [tilespmem:s24], [sflag:$0x2], $0x2800, $0x38;
	[tilespmem:$0x16900] =	vst v63  }
0x9b: {  	_ =	swait.ge [sflag:s25], $0x2800  }
0x9c: {  	[sflag:s25] =	ssyncset.done $0x0  }
0x9d: {  	[sflag:s25] =	ssyncadd.s32 $0xFFFFD800  }
0x9e: {  	[tilespmem:s24], [sflag:$0x2] =	stream.linear.gather [spmem:s9], $0x2800, $0x38;
	[tilespmem:$0x16900] =	vst v63  }
0x9f: {  	_ =	swait.ge [sflag:s25], $0x2800  }
0xa0: {  	[sflag:s25] =	ssyncset.done $0x0  }
0xa1: {  	[sflag:s25] =	ssyncadd.s32 $0xFFFFD800  }
0xa2: {  	[hbm4b:s17+s3] =	stream.linear.scatter [tilespmem:s24], [sflag:$0x2], $0x2800, $0x38;
	[tilespmem:$0x16900] =	vst v63  }
0xa3: {  	_ =	swait.ge [sflag:s25], $0x2800  }
0xa4: {  	[sflag:s25] =	ssyncset.done $0x0  }
0xa5: {  	[sflag:s25] =	ssyncadd.s32 $0xFFFFD800  }
0xa6: {  	[tilespmem:s24], [sflag:$0x2] =	stream.linear.gather [spmem:s10], $0x2800, $0x38;
	[tilespmem:$0x16900] =	vst v63  }
0xa7: {  	_ =	swait.ge [sflag:s25], $0x2800  }
0xa8: {  	[sflag:s25] =	ssyncset.done $0x0  }
0xa9: {  	[sflag:s25] =	ssyncadd.s32 $0xFFFFD800  }
0xaa: {  	[hbm4b:s18+s3] =	stream.linear.scatter [tilespmem:s24], [sflag:$0x2], $0x2800, $0x38;
	[tilespmem:$0x16900] =	vst v63  }
0xab: {  	_ =	swait.ge [sflag:s25], $0x2800  }
0xac: {  	[sflag:s25] =	ssyncset.done $0x0  }
0xad: {  	[sflag:s25] =	ssyncadd.s32 $0xFFFFD800  }
0xae: {  	[tilespmem:s24], [sflag:$0x2] =	stream.linear.gather [spmem:s11], $0x2800, $0x38;
	[tilespmem:$0x16900] =	vst v63  }
0xaf: {  	_ =	swait.ge [sflag:s25], $0x2800  }
0xb0: {  	[sflag:s25] =	ssyncset.done $0x0  }
0xb1: {  	[sflag:s25] =	ssyncadd.s32 $0xFFFFD800  }
0xb2: {  	[hbm4b:s19+s3] =	stream.linear.scatter [tilespmem:s24], [sflag:$0x2], $0x2800, $0x38;
	[tilespmem:$0x16900] =	vst v63  }
0xb3: {  	_ =	swait.ge [sflag:s25], $0x2800  }
0xb4: {  	[sflag:s25] =	ssyncset.done $0x0  }
0xb5: {  	[sflag:s25] =	ssyncadd.s32 $0xFFFFD800  }
0xb6: {  	[tilespmem:s24], [sflag:$0x2] =	stream.linear.gather [spmem:s12], $0x2800, $0x38;
	[tilespmem:$0x16900] =	vst v63  }
0xb7: {  	s30 =	sadd.s32 $0x1, s30;
	_ =	swait.ge [sflag:s25], $0x2800  }
0xb8: {  	p0 =	sne.s32 s30, s21;
	[sflag:s25] =	ssyncset.done $0x0  }
.Ltmp2:
0xb9: {  	[sflag:s25] =	ssyncadd.s32 $0xFFFFD800;
	(pc) =	sbr.rel @p0 .LBB2_1-.Ltmp2, $4  }
0xba: {  	[hbm4b:s20+s3] =	stream.linear.scatter [tilespmem:s24], [sflag:$0x2], $0x2800, $0x38;
	[tilespmem:$0x16900] =	vst v63  }
0xbb: {  	_ =	swait.ge [sflag:s25], $0x2800  }
0xbc: {  	[sflag:s25] =	ssyncset.done $0x0  }
0xbd: {  	[sflag:s25] =	ssyncadd.s32 $0xFFFFD800  }
0xbe: {  	_ =	sfence.sel $0x180000  }
0xbf: {  	[bflag:$0x0] =	sbarrier.arrive $0xFFFF  }
0xc0: {  	_ =	strace $0x9000004A  }
0xc1: {  	s0 =	stileid.u32;
	[bflag:$0x2] =	sbarrier.arrive $0xFFFF  }
0xc2: {  	p0 =	sne.s32 s0, $0x0;
	s0 =	rddreg [dreg:$0x3]  }
0xc3: {  	s0 =	sadd.s32 @!p0 $0x100000, s0  }
0xc4: {  	[sflag:s0] =	ssyncadd.tile.s32 @!p0 $0x1;
	_ =	shalt  }
.Lfunc_end2:
_tile_overlayer_lowered:
.L_overlay_start_2:
0xc5: {  	(tag) =	ssettag $0x2  }
0xc6: {  	s0 =	rddreg [dreg:$0x0];
	s2 =	stileid.u32  }
0xc7: {  	s1 =	rddreg [dreg:$0x1];
	p0 =	sne.s32 s2, $0x0  }
0xc8: {  	s3 =	rddreg [dreg:$0x2];
	[bflag:$0x3] =	sbarrier.arrive $0xFFFF;
	s2 =	simm.s32 @!p0 $0x1C02  }
0xc9: {  	[timem:s3], [sflag:s2] =	dma.local @!p0 [hbm:s0], s1  }
0xca: {  	s0 =	simm.s32 @!p0 $0x2  }
0xcb: {  	_ =	swait.ge @!p0 [sflag:s0], s1  }
0xcc: {  	s1 =	ssub.s32 @!p0 $0x0, s1;
	[sflag:s0] =	ssyncset.done @!p0 $0x0  }
0xcd: {  	[sflag:s0] =	ssyncadd.s32 @!p0 s1  }
0xce: {  	[bflag:$0x3] =	sbarrier.arrive $0xFFFF  }
0xcf: {  	_ =	shalt  }

// kernel: kernel.7.cloned.1.call-start
scs
__scs_entry_jumppad:
0x0: {  	(pc) =	sbr.rel $0x88, $3  }
0x1: {  	(tag) =	ssettag $0x0;
	lr =	simm.s32 $0x1  }
0x2: {  	[smem:$0x3F99] =	sst lr;
	_ =	strace $0xD0000000  }
0x3: {  	_ = 	snop  }
0x4: {  	_ = 	snop  }
0x5: {  	_ = 	snop  }
0x6: {  	_ = 	snop  }
0x7: {  	_ = 	snop  }
__scs_overlays_trampoline_lowered:
0x8: {  	[smem:$0x3FA8] =	sst s0  }
0x9: {  	[smem:$0x3FA9] =	sst s1  }
0xa: {  	[smem:$0x3FAA] =	sst s2  }
0xb: {  	[smem:$0x3FAB] =	sst s3  }
0xc: {  	[smem:$0x3FAC] =	sst s4  }
0xd: {  	[smem:$0x3FAD] =	sst s5  }
0xe: {  	[smem:$0x3FAE] =	sst s6  }
0xf: {  	[smem:$0x3FAF] =	sst s7  }
0x10: {  	[smem:$0x3FB0] =	sst s8  }
0x11: {  	[smem:$0x3FB1] =	sst s9;
	s0 =	simm.s32 @!p0 $0x0  }
0x12: {  	s1 =	sld [smem:$0x3F97];
	s0 =	simm.s32 @p0 $0x1  }
0x13: {  	[smem:$0x3FB2] =	sst s0;
	s0 =	simm.s32 @!p1 $0x0  }
0x14: {  	s2 =	sld [smem:$0x3F96];
	s0 =	simm.s32 @p1 $0x1  }
0x15: {  	[smem:$0x3FB3] =	sst s0;
	s0 =	simm.s32 @!p2 $0x0  }
0x16: {  	s3 =	sld [smem:$0x3FDB];
	s0 =	simm.s32 @p2 $0x1  }
0x17: {  	s4 =	simm.s32 $0x1BF5;
	[smem:$0x3FB5] =	sst s0  }
0x18: {  	s0 =	sld [smem:$0x3F98];
	_ =	swait.ge [sflag:s4], $0x0  }
0x19: {  	s7 =	sld [smem:$0x3F99]  }
0x1a: {  	s8 =	sadd.s32 $0xFFFFE003, lr  }
0x1b: {  	s9 =	sadd.s32 $0xFFFFFEF7, lr;
	s5 =	simm.s32 $0xFFFFFFFF;
	p2 =	slt.u32 s8, $0xFFFFF086  }
0x1c: {  	p1 =	slt.u32 s9, $0xF7A;
	s5 =	simm.s32 @!p2 $0x0  }
0x1d: {  	s5 =	simm.s32 @p1 $0x1;
	p0 =	seq.s32 s7, s2  }
0x1e: {  	s7 =	smul.u32 @!p0 $0xF7A, s2;
	p2 =	seq.s32 @!p0 s5, $0x0  }
0x1f: {  	s9 =	smul.u32 $0xF7A, s1;
	s8 =	simm.s32 @!p0 $0x1BF5;
	p2 =	por !p2, p0  }
0x20: {  	[sflag:s8] =	ssyncset.s32 @!p0 $0xFFFFF086;
	s6 =	sadd.s32 @!p0 s3, s7;
	s7 =	simm.s32 @!p0 $0x108  }
0x21: {  	s3 =	sadd.s32 s3, s9;
	s6 =	sadd.s32 @!p0 $0x88, s6;
	s7 =	simm.s32 @p2 $0x1082  }
0x22: {  	[simem:s7], [sflag:s8] =	dma.local @!p0 [hbm:s6], $0xF7A  }
0x23: {  	s9 =	sor.u32 $0xD0000000, s2;
	s6 =	simm.s32 $0x108;
	_ =	swait.ge @!p0 [sflag:s8], $0x0  }
0x24: {  	s3 =	sadd.s32 $0x88, s3;
	s6 =	simm.s32 @!p1 $0x1082;
	[sflag:s4] =	ssyncset.s32 $0xFFFFF086  }
0x25: {  	[simem:s6], [sflag:s4] =	dma.local [hbm:s3], $0xF7A  }
0x26: {  	[smem:$0x3F99] =	sst s1;
	(tag) =	ssettag s2;
	_ =	strace s9  }
0x27: {  	s1 =	sld [smem:$0x3FA9]  }
0x28: {  	s2 =	sld [smem:$0x3FAA]  }
0x29: {  	s4 =	sld [smem:$0x3FAC]  }
0x2a: {  	p0 =	seq.s32 s5, $0x0;
	s5 =	sld [smem:$0x3FAD]  }
0x2b: {  	s6 =	sld [smem:$0x3FAE]  }
0x2c: {  	s7 =	sld [smem:$0x3FAF]  }
0x2d: {  	s3 =	simm.s32 $0x108;
	s8 =	sld [smem:$0x3FB0]  }
0x2e: {  	s3 =	simm.s32 @!p0 $0x1082;
	s9 =	sld [smem:$0x3FB1]  }
0x2f: {  	lr =	sadd.s32 s0, s3;
	s0 =	sld [smem:$0x3FA8]  }
0x30: {  	s3 =	sld [smem:$0x3FAB]  }
0x31: {  	[smem:$0x3FB4] =	sst s10  }
0x32: {  	s10 =	sld [smem:$0x3FB2];
	_ =	sdelay $0x3  }
0x33: {  	p0 =	seq.s32 s10, $0x1;
	s10 =	sld [smem:$0x3FB4];
	_ =	sdelay $0x3  }
0x34: {  	[smem:$0x3FB4] =	sst s10  }
0x35: {  	s10 =	sld [smem:$0x3FB3];
	_ =	sdelay $0x3  }
0x36: {  	p1 =	seq.s32 s10, $0x1;
	s10 =	sld [smem:$0x3FB4];
	_ =	sdelay $0x3  }
0x37: {  	[smem:$0x3FB4] =	sst s10  }
0x38: {  	s10 =	sld [smem:$0x3FB5]  }
0x39: {  	_ = 	snop;
	(pc) =	sbr.ind lr, $3  }
0x3a: {  	_ = 	snop  }
0x3b: {  	_ = 	snop  }
0x3c: {  	p2 =	seq.s32 s10, $0x1;
	s10 =	sld [smem:$0x3FB4]  }
0x3d: {  	_ =	shalt  }
0x3e: {  	_ =	shalt  }
0x3f: {  	_ =	shalt  }
0x40: {  	_ =	shalt  }
0x41: {  	_ =	shalt  }
0x42: {  	_ =	shalt  }
0x43: {  	_ =	shalt  }
0x44: {  	_ =	shalt  }
0x45: {  	_ =	shalt  }
0x46: {  	_ =	shalt  }
0x47: {  	_ =	shalt  }
0x48: {  	_ =	shalt  }
0x49: {  	_ =	shalt  }
0x4a: {  	_ =	shalt  }
0x4b: {  	_ =	shalt  }
0x4c: {  	_ =	shalt  }
0x4d: {  	_ =	shalt  }
0x4e: {  	_ =	shalt  }
0x4f: {  	_ =	shalt  }
0x50: {  	_ =	shalt  }
0x51: {  	_ =	shalt  }
0x52: {  	_ =	shalt  }
0x53: {  	_ =	shalt  }
0x54: {  	_ =	shalt  }
0x55: {  	_ =	shalt  }
0x56: {  	_ =	shalt  }
0x57: {  	_ =	shalt  }
0x58: {  	_ =	shalt  }
0x59: {  	_ =	shalt  }
0x5a: {  	_ =	shalt  }
0x5b: {  	_ =	shalt  }
0x5c: {  	_ =	shalt  }
0x5d: {  	_ =	shalt  }
0x5e: {  	_ =	shalt  }
0x5f: {  	_ =	shalt  }
0x60: {  	_ =	shalt  }
0x61: {  	_ =	shalt  }
0x62: {  	_ =	shalt  }
0x63: {  	_ =	shalt  }
0x64: {  	_ =	shalt  }
0x65: {  	_ =	shalt  }
0x66: {  	_ =	shalt  }
0x67: {  	_ =	shalt  }
0x68: {  	_ =	shalt  }
0x69: {  	_ =	shalt  }
0x6a: {  	_ =	shalt  }
0x6b: {  	_ =	shalt  }
0x6c: {  	_ =	shalt  }
0x6d: {  	_ =	shalt  }
0x6e: {  	_ =	shalt  }
0x6f: {  	_ =	shalt  }
0x70: {  	_ =	shalt  }
0x71: {  	_ =	shalt  }
0x72: {  	_ =	shalt  }
0x73: {  	_ =	shalt  }
0x74: {  	_ =	shalt  }
0x75: {  	_ =	shalt  }
0x76: {  	_ =	shalt  }
0x77: {  	_ =	shalt  }
0x78: {  	_ =	shalt  }
0x79: {  	_ =	shalt  }
0x7a: {  	_ =	shalt  }
0x7b: {  	_ =	shalt  }
0x7c: {  	_ =	shalt  }
0x7d: {  	_ =	shalt  }
0x7e: {  	_ =	shalt  }
0x7f: {  	_ =	shalt  }
0x80: {  	_ =	shalt  }
0x81: {  	_ =	shalt  }
0x82: {  	_ =	shalt  }
0x83: {  	_ =	shalt  }
0x84: {  	_ =	shalt  }
0x85: {  	_ =	shalt  }
0x86: {  	_ =	shalt  }
0x87: {  	_ =	shalt  }
.Lfunc_end0:
.L_simem_size_0:
called_computation_lowered:
.L_overlay_start_0:
0x88: {  	s2 =	sld [smem:$0x3FD9]  }
0x89: {  	s3 =	sld [smem:$0x3FFE];
	_ =	sdelay $0x1  }
0x8a: {  	s1 =	srdreg.scid  }
0x8b: {  	s0 =	sand.u32 $0x1, s1  }
0x8c: {  	s17 =	sshll.u32 s0, $0xA;
	s2 =	sadd.s32 s3, s2  }
0x8d: {  	s2 =	sadd.s32 s2, s17  }
0x8e: {  	[smem:$0x3FC0] =	sst s2  }
0x8f: {  	_ = 	snop  }
0x90: {  	s2 =	sld [smem:$0x3FD0];
	(tm) =	ssettm $0x1  }
0x91: {  	s18 =	sld [smem:$0x3FFB];
	_ =	sdelay $0x3  }
0x92: {  	_ =	strace s18  }
0x93: {  	s3 =	sld [smem:$0x3FFC];
	_ =	sdelay $0x3  }
0x94: {  	_ =	strace s3  }
0x95: {  	s3 =	sld [smem:$0x3FFD];
	_ =	sdelay $0x3  }
0x96: {  	_ =	strace s3  }
0x97: {  	_ =	strace $0x8FFFFFFF  }
0x98: {  	s19 =	sld [smem:$0x3FDB];
	_ =	sdelay $0x1  }
0x99: {  	s4 =	simm.s32 $_scs_section_size  }
0x9a: {  	s5 =	simm.s32 $_size__tile_overlayer_lowered;
	s6 =	simm.s32 $_tile_overlayer_lowered  }
0x9b: {  	s22 =	simm.s32 $0x1BFF;
	s21 =	sshll.u32 s6, $0x1;
	s3 =	sadd.s32 s4, s19  }
0x9c: {  	s7 =	simm.s32 $0x0;
	s20 =	sshll.u32 s5, $0x1;
	s5 =	sadd.s32 s21, s3  }
0x9d: {  	[timem:s7], [sflag:s22] =	dma.local [hbm:s5], s20  }
0x9e: {  	_ =	swait.ge [sflag:s22], s20  }
0x9f: {  	s4 =	ssub.s32 $0x0, s20;
	[sflag:s22] =	ssyncset.done $0x0  }
0xa0: {  	[sflag:s22] =	ssyncadd.s32 s4;
	_ =	sdelay $0x1  }
0xa1: {  	s23 =	simm.s32 $0x1B8B  }
0xa2: {  	_ =	swait.ge [sflag:s23], $0x1  }
0xa3: {  	[sflag:s23] =	ssyncset.done $0x0  }
0xa4: {  	s25 =	simm.s32 $0x1B8E;
	s24 =	sld [smem:$0x3FFE];
	[sflag:s23] =	ssyncadd.s32 $0xFFFFFFFF  }
0xa5: {  	s26 =	simm.s32 $execute0_lowered;
	[smem:$0x3FD2] =	sst s25  }
0xa6: {  	s5 =	sshll.u32 s26, $0x1;
	_ =	strace $0x80000046;
	[dreg:$0x1] =	wrdreg $0xFFFFFFFF  }
0xa7: {  	s28 =	simm.s32 $_size_execute0_lowered;
	s3 =	sadd.s32 s3, s5;
	[dreg:$0x0] =	wrdreg $0x0  }
0xa8: {  	s5 =	sshll.u32 s28, $0x1;
	[dreg:$0x2] =	wrdreg s3  }
0xa9: {  	[dreg:$0x3] =	wrdreg s5  }
0xaa: {  	[dreg:$0x4] =	wrdreg $0xC0  }
0xab: {  	_ =	task [dreg:s7], $0x5FFFF  }
0xac: {  	[dreg:$0x1] =	wrdreg $0xFFFFFFFF  }
0xad: {  	[dreg:$0x0] =	wrdreg $0x60  }
0xae: {  	[dreg:$0x2] =	wrdreg s24  }
0xaf: {  	[dreg:$0x3] =	wrdreg s2  }
0xb0: {  	[dreg:$0x4] =	wrdreg $0x29000  }
0xb1: {  	[dreg:$0x5] =	wrdreg $0x16C000  }
0xb2: {  	[dreg:$0x6] =	wrdreg $0x9  }
0xb3: {  	_ =	task.clear_ibuf [dreg:s7], $0x7FFFF;
	_ =	strace $0x90000046  }
0xb4: {  	s29 =	simm.s32 $0x9;
	_ =	strace $0x80000048  }
0xb5: {  	_ =	swait.ge [sflag:s29], $0x1  }
0xb6: {  	[sflag:s29] =	ssyncadd.s32 $0xFFFFFFFF  }
0xb7: {  	_ =	strace $0x90000048  }
0xb8: {  	_ =	sfence  }
0xb9: {  	s30 =	sld [smem:$0x0];
	_ =	sdelay $0x2  }
0xba: {  	s31 =	sshll.u32 s1, $0xD;
	s1 =	sshrl.u32 s1, $0x2  }
0xbb: {  	s3 =	sand.u32 $0x4000, s31;
	s1 =	sadd.s32 s1, s30  }
0xbc: {  	s0 =	sor.u32 s3, s0;
	s1 =	sshll.u32 s1, $0x11  }
0xbd: {  	s0 =	sor.u32 s1, s0  }
0xbe: {  	s0 =	sadd.s32 $0x8F2B, s0  }
0xbf: {  	[sflag:s0] =	ssyncadd.remote.s32 $0x1  }
0xc0: {  	_ =	sfence.sel $0xFFFF  }
0xc1: {  	[dreg:$0x0] =	wrdreg $0xFFFFFFFF;
	(pc) =	sbr.abs _section_cstart, $3  }
0xc2: {  	[dreg:$0x1] =	wrdreg $0xFFFFFFFF  }
0xc3: {  	_ =	task.clear_ibuf [dreg:s7], $0x2FFFF;
	_ =	strace $0x9FFFFFFF  }
0xc4: {  	(tm) =	ssettm $0x7FFFFFFF  }
0xc5: {  	_ =	shalt  }
tec
execute0_lowered:
.L_overlay_start_1:
0x0: {  	(tag) =	ssettag $0x1  }
0x1: {  	s0 =	rddreg [dreg:$0x0];
	s1 =	srdreg.scid  }
0x2: {  	s13 =	stileid.u32;
	s4 =	rddreg [dreg:$0x1]  }
0x3: {  	s2 =	rddreg [dreg:$0x2];
	s5 =	smul.u32 $0x4E20, s13  }
0x4: {  	s3 =	rddreg [dreg:$0x3];
	s28 =	simm.s32 $0x100;
	s24 =	smul.u32 $0x500, s13  }
0x5: {  	s29 =	simm.s32 $0x2;
	s30 =	simm.s32 $0x16980;
	s23 =	smul.u32 $0x280, s13  }
0x6: {  	s31 =	simm.s32 $0x80;
	s1 =	sand.u32 $0x1, s1;
	s9 =	smul.u32 $0x14000, s13  }
0x7: {  	s11 =	sadd.s32 $0x33000, s0;
	s6 =	smul.u32 $0x2710, s1;
	s8 =	ssub.s32 $0x2, s1  }
0x8: {  	s7 =	sshll.u32 s1, $0x7;
	s1 =	smul.u32 $0x140000, s1;
	s25 =	sshrl.u32 s8, $0x1  }
0x9: {  	s26 =	sshll.u32 s23, $0x7;
	s23 =	sadd.s32 s23, s3;
	s5 =	sadd.s32 s6, s5  }
0xa: {  	s6 =	sor.u32 s7, s24;
	s7 =	ssub.s32 s8, s25;
	s16 =	sor.u32 $0x2800, s26  }
0xb: {  	s17 =	sadd.s32 $0x5000, s26;
	s18 =	sadd.s32 $0x7800, s26;
	s19 =	sadd.s32 $0xA000, s26  }
0xc: {  	s20 =	sadd.s32 $0xC800, s26;
	s21 =	sadd.s32 $0xF000, s26;
	s9 =	sadd.s32 s9, s1  }
0xd: {  	s22 =	sadd.s32 $0x11800, s26;
	s10 =	sadd.s32 s1, s16;
	s9 =	sshrl.u32 s9, $0x3  }
0xe: {  	s14 =	sadd.s32 s1, s17;
	s15 =	sadd.s32 s1, s18;
	s24 =	sadd.s32 s1, s19  }
0xf: {  	s6 =	sshrl.u32 s6, $0x3;
	s16 =	sadd.s32 s16, s2;
	s17 =	sadd.s32 s17, s2  }
0x10: {  	s18 =	sadd.s32 s18, s2;
	s19 =	sadd.s32 s19, s2;
	s10 =	sshrl.u32 s10, $0x3  }
0x11: {  	s8 =	sadd.s32 s11, s9;
	s25 =	sshrl.u32 s15, $0x3;
	s26 =	sshrl.u32 s24, $0x3  }
0x12: {  	s24 =	sshrl.u32 s5, $0x3;
	[dreg:$0x5] =	wrdreg s8;
	s12 =	sadd.s32 s11, s10  }
0x13: {  	s8 =	sshrl.u32 s14, $0x3;
	s9 =	sadd.s32 s11, s26;
	s10 =	sadd.s32 s1, s20  }
0x14: {  	s26 =	sadd.s32 s6, s0;
	s20 =	sadd.s32 s20, s2;
	[dreg:$0x6] =	wrdreg s12  }
0x15: {  	s8 =	sadd.s32 s11, s8;
	[dreg:$0x9] =	wrdreg s9;
	s9 =	sshrl.u32 s10, $0x3  }
0x16: {  	s12 =	sadd.s32 s1, s21;
	s1 =	sadd.s32 s1, s22;
	s21 =	sadd.s32 s21, s2  }
0x17: {  	s22 =	sadd.s32 s22, s2;
	[dreg:$0x7] =	wrdreg s8;
	s8 =	sadd.s32 s11, s25  }
0x18: {  	s14 =	sadd.s32 s11, s9;
	s10 =	sshrl.u32 s12, $0x3;
	s1 =	sshrl.u32 s1, $0x3  }
0x19: {  	s12 =	simm.s32 $0x0;
	s25 =	smul.u32 $0x50000, s13;
	[dreg:$0x8] =	wrdreg s8  }
0x1a: {  	s13 =	sadd.s32 s24, s4;
	s4 =	simm.s32 $0x16900;
	[dreg:$0xa] =	wrdreg s14  }
0x1b: {  	s15 =	sadd.s32 s11, s10;
	s11 =	sadd.s32 s11, s1;
	[smem:$0x7FF] =	sst s12  }
0x1c: {  	s1 =	sadd.s32 s24, s0;
	s14 =	sadd.s32 $0xB400, s0;
	s24 =	sadd.s32 $0x32600, s26  }
0x1d: {  	s0 =	simm.s32 $0x1;
	[dreg:$0xb] =	wrdreg s15;
	s5 =	sshrl.u32 s25, $0x2  }
0x1e: {  	s25 =	smax.u32 s7, $0x1;
	s26 =	sadd.s32 $0x1600, s1;
	s1 =	simm.s32 $0x50  }
0x1f: {  	v0 =	vimm.f32 $0.0e+00;
	v1 =	vimm.f32 $1.000000000e+00;
	_ =	strace $0x80000047;
	s15 =	sadd.s32 s5, s2;
	s5 =	simm.s32 $0x0  }
.LBB2_1:
0x20: {  	s6 =	simm.s32 $0x0;
	s7 =	simm.s32 $0x200  }
.LBB2_2:
0x21: {  	p0 =	sne.s32 s7, $0x9E00;
	[tilespmem:s6+$0x170] =	vst v0  }
0x22: {  	[tilespmem:s6+$0x100] =	vst v0  }
0x23: {  	[tilespmem:s6+$0x110] =	vst v0  }
.Ltmp0:
0x24: {  	[tilespmem:s6+$0x120] =	vst v0;
	(pc) =	sbr.rel @p0 .LBB2_2-.Ltmp0, $4  }
0x25: {  	[tilespmem:s6+$0x130] =	vst v0  }
0x26: {  	[tilespmem:s6+$0x140] =	vst v0  }
0x27: {  	[tilespmem:s6+$0x150] =	vst v0  }
0x28: {  	[tilespmem:s6+$0x160] =	vst v0;
	s6 =	sshra.s32 s7, $0x2;
	s7 =	sadd.s32 $0x200, s7  }
0x29: {  	[tilespmem:s6+$0x170] =	vst v0  }
0x2a: {  	[tilespmem:s6+$0x100] =	vst v0  }
0x2b: {  	[tilespmem:s6+$0x110] =	vst v0  }
0x2c: {  	[tilespmem:s6+$0x120] =	vst v0  }
0x2d: {  	[tilespmem:s6+$0x130] =	vst v0  }
0x2e: {  	[tilespmem:s6+$0x140] =	vst v0  }
0x2f: {  	[tilespmem:s6+$0x150] =	vst v0  }
0x30: {  	[tilespmem:s6+$0x160] =	vst v0  }
0x31: {  	[spmem:s15] =	stream.linear.scatter [tilespmem:s28], [sflag:$0x2], $0x2800, $0x38;
	[tilespmem:$0x16E80] =	vst v63  }
0x32: {  	_ =	swait.ge [sflag:s29], $0x2800  }
0x33: {  	[sflag:s29] =	ssyncset.done $0x0  }
0x34: {  	[sflag:s29] =	ssyncadd.s32 $0xFFFFD800  }
0x35: {  	[spmem:s16] =	stream.linear.scatter [tilespmem:s28], [sflag:$0x2], $0x2800, $0x38;
	[tilespmem:$0x16E80] =	vst v63  }
0x36: {  	_ =	swait.ge [sflag:s29], $0x2800  }
0x37: {  	[sflag:s29] =	ssyncset.done $0x0  }
0x38: {  	[sflag:s29] =	ssyncadd.s32 $0xFFFFD800  }
0x39: {  	[spmem:s17] =	stream.linear.scatter [tilespmem:s28], [sflag:$0x2], $0x2800, $0x38;
	[tilespmem:$0x16E80] =	vst v63  }
0x3a: {  	_ =	swait.ge [sflag:s29], $0x2800  }
0x3b: {  	[sflag:s29] =	ssyncset.done $0x0  }
0x3c: {  	[sflag:s29] =	ssyncadd.s32 $0xFFFFD800  }
0x3d: {  	[spmem:s18] =	stream.linear.scatter [tilespmem:s28], [sflag:$0x2], $0x2800, $0x38;
	[tilespmem:$0x16E80] =	vst v63  }
0x3e: {  	_ =	swait.ge [sflag:s29], $0x2800  }
0x3f: {  	[sflag:s29] =	ssyncset.done $0x0  }
0x40: {  	[sflag:s29] =	ssyncadd.s32 $0xFFFFD800  }
0x41: {  	[spmem:s19] =	stream.linear.scatter [tilespmem:s28], [sflag:$0x2], $0x2800, $0x38;
	[tilespmem:$0x16E80] =	vst v63  }
0x42: {  	_ =	swait.ge [sflag:s29], $0x2800  }
0x43: {  	[sflag:s29] =	ssyncset.done $0x0  }
0x44: {  	[sflag:s29] =	ssyncadd.s32 $0xFFFFD800  }
0x45: {  	[spmem:s20] =	stream.linear.scatter [tilespmem:s28], [sflag:$0x2], $0x2800, $0x38;
	[tilespmem:$0x16E80] =	vst v63  }
0x46: {  	_ =	swait.ge [sflag:s29], $0x2800  }
0x47: {  	[sflag:s29] =	ssyncset.done $0x0  }
0x48: {  	[sflag:s29] =	ssyncadd.s32 $0xFFFFD800  }
0x49: {  	[spmem:s21] =	stream.linear.scatter [tilespmem:s28], [sflag:$0x2], $0x2800, $0x38;
	[tilespmem:$0x16E80] =	vst v63  }
0x4a: {  	_ =	swait.ge [sflag:s29], $0x2800  }
0x4b: {  	[sflag:s29] =	ssyncset.done $0x0  }
0x4c: {  	[sflag:s29] =	ssyncadd.s32 $0xFFFFD800  }
0x4d: {  	[spmem:s22] =	stream.linear.scatter [tilespmem:s28], [sflag:$0x2], $0x2800, $0x38;
	[tilespmem:$0x16E80] =	vst v63  }
0x4e: {  	_ =	swait.ge [sflag:s29], $0x2800  }
0x4f: {  	[sflag:s29] =	ssyncset.done $0x0  }
0x50: {  	[sflag:s29] =	ssyncadd.s32 $0xFFFFD800  }
0x51: {  	[tilespmem:$0x16980] =	vst v0  }
0x52: {  	[tilespmem:$0x16990] =	vst v0  }
0x53: {  	[tilespmem:$0x169A0] =	vst v0  }
0x54: {  	[tilespmem:$0x169B0] =	vst v0  }
0x55: {  	[tilespmem:$0x169C0] =	vst v0  }
0x56: {  	[tilespmem:$0x169D0] =	vst v0  }
0x57: {  	[tilespmem:$0x169E0] =	vst v0  }
0x58: {  	[tilespmem:$0x169F0] =	vst v0  }
0x59: {  	[tilespmem:$0x16A00] =	vst v0  }
0x5a: {  	[tilespmem:$0x16A10] =	vst v0  }
0x5b: {  	[tilespmem:$0x16A20] =	vst v0  }
0x5c: {  	[tilespmem:$0x16A30] =	vst v0  }
0x5d: {  	[tilespmem:$0x16A40] =	vst v0  }
0x5e: {  	[tilespmem:$0x16A50] =	vst v0  }
0x5f: {  	[tilespmem:$0x16A60] =	vst v0  }
0x60: {  	[tilespmem:$0x16A70] =	vst v0  }
0x61: {  	[tilespmem:$0x16A80] =	vst v0  }
0x62: {  	[tilespmem:$0x16A90] =	vst v0  }
0x63: {  	[tilespmem:$0x16AA0] =	vst v0  }
0x64: {  	[tilespmem:$0x16AB0] =	vst v0  }
0x65: {  	[tilespmem:$0x16AC0] =	vst v0  }
0x66: {  	[tilespmem:$0x16AD0] =	vst v0  }
0x67: {  	[tilespmem:$0x16AE0] =	vst v0  }
0x68: {  	[tilespmem:$0x16AF0] =	vst v0  }
0x69: {  	[tilespmem:$0x16B00] =	vst v0  }
0x6a: {  	[tilespmem:$0x16B10] =	vst v0  }
0x6b: {  	[tilespmem:$0x16B20] =	vst v0  }
0x6c: {  	[tilespmem:$0x16B30] =	vst v0  }
0x6d: {  	[tilespmem:$0x16B40] =	vst v0  }
0x6e: {  	[tilespmem:$0x16B50] =	vst v0  }
0x6f: {  	[tilespmem:$0x16B60] =	vst v0  }
0x70: {  	[tilespmem:$0x16B70] =	vst v0  }
0x71: {  	[tilespmem:$0x16B80] =	vst v0  }
0x72: {  	[tilespmem:$0x16B90] =	vst v0  }
0x73: {  	[tilespmem:$0x16BA0] =	vst v0  }
0x74: {  	[tilespmem:$0x16BB0] =	vst v0  }
0x75: {  	[tilespmem:$0x16BC0] =	vst v0  }
0x76: {  	[tilespmem:$0x16BD0] =	vst v0  }
0x77: {  	[tilespmem:$0x16BE0] =	vst v0  }
0x78: {  	[tilespmem:$0x16BF0] =	vst v0  }
0x79: {  	[spmem:s23] =	stream.linear.scatter [tilespmem:s30], [sflag:$0x2], $0x280, $0x38;
	[tilespmem:$0x16E80] =	vst v63  }
0x7a: {  	_ =	swait.ge [sflag:s29], $0x280  }
0x7b: {  	[sflag:s29] =	ssyncset.done $0x0  }
0x7c: {  	[sflag:s29] =	ssyncadd.s32 $0xFFFFFD80  }
0x7d: {  	[tilespmem:$0x16900] =	vst v1  }
0x7e: {  	[tilespmem:$0x16910] =	vst v1  }
0x7f: {  	[tilespmem:$0x16920] =	vst v1  }
0x80: {  	[tilespmem:$0x16930] =	vst v1  }
0x81: {  	[tilespmem:$0x16940] =	vst v1  }
0x82: {  	s9 =	sadd.s32 $0x0, s26;
	[bflag:$0x0] =	sbarrier.arrive $0xFFFF  }
0x83: {  	[tilespmem:s12], [sflag:$0x2] =	stream.linear.gather [hbm4b:s9+s12], $0x50, $0x38;
	[tilespmem:$0x16E80] =	vst v63  }
0x84: {  	_ =	swait.ge [sflag:s29], $0x50  }
0x85: {  	[sflag:s29] =	ssyncset.done $0x0  }
0x86: {  	s10 =	sadd.s32 $0x0, s13;
	[sflag:s29] =	ssyncadd.s32 $0xFFFFFFB0  }
0x87: {  	[tilespmem:s31], [sflag:$0x2] =	stream.linear.gather [hbm4b:s10+s12], $0x50, $0x38;
	[tilespmem:$0x16E80] =	vst v63  }
0x88: {  	_ =	swait.ge [sflag:s29], $0x50  }
0x89: {  	[sflag:s29] =	ssyncset.done $0x0  }
0x8a: {  	[sflag:s29] =	ssyncadd.s32 $0xFFFFFFB0  }
0x8b: {  	[tilespmem:s28], [sflag:$0x1] =	stream.indirect.gather [hbm4b:s14+s1], $0x80, s12, s1, $0xb8;
	[tilespmem:$0x16E80] =	vst v63  }
0x8c: {  	_ =	swait.ge [sflag:s0], $0x2800  }
0x8d: {  	[sflag:s0] =	ssyncset.done $0x0  }
0x8e: {  	[sflag:s0] =	ssyncadd.s32 $0xFFFFD800  }
0x8f: {  	[spmem:s2] =	stream.indirect.scatter.add.f32 [tilespmem:s28], [sflag:$0x2], $0x80, s31, s1, $0xb8;
	[tilespmem:$0x16E80] =	vst v63  }
0x90: {  	_ =	swait.ge [sflag:s29], $0x2800  }
0x91: {  	[sflag:s29] =	ssyncset.done $0x0  }
0x92: {  	[sflag:s29] =	ssyncadd.s32 $0xFFFFD800  }
0x93: {  	[spmem:s3] =	stream.indirect.scatter.add.f32 [tilespmem:s4], [sflag:$0x2], $0x1, s31, s1, $0xb8;
	[tilespmem:$0x16E80] =	vst v63  }
0x94: {  	_ =	swait.ge [sflag:s29], $0x50  }
0x95: {  	s6 =	simm.s32 $0xA;
	s7 =	simm.s32 $0x14;
	[sflag:s29] =	ssyncset.done $0x0  }
.LBB2_4:
0x96: {  	s8 =	sadd.s32 s6, s26  }
0x97: {  	[sflag:s29] =	ssyncadd.s32 $0xFFFFFFB0;
	s9 =	smov.u32 s7;
	s10 =	sadd.s32 $0xA, s7  }
0x98: {  	[tilespmem:s12], [sflag:$0x2] =	stream.linear.gather [hbm4b:s8+s12], $0x50, $0x38;
	[tilespmem:$0x16E80] =	vst v63  }
0x99: {  	p0 =	sne.s32 s7, $0x4D8;
	_ =	swait.ge [sflag:s29], $0x50  }
0x9a: {  	[sflag:s29] =	ssyncset.done $0x0  }
0x9b: {  	s7 =	sadd.s32 s6, s13;
	s6 =	smov.u32 s9;
	[sflag:s29] =	ssyncadd.s32 $0xFFFFFFB0  }
0x9c: {  	[tilespmem:s31], [sflag:$0x2] =	stream.linear.gather [hbm4b:s7+s12], $0x50, $0x38;
	[tilespmem:$0x16E80] =	vst v63  }
0x9d: {  	_ =	swait.ge [sflag:s29], $0x50  }
0x9e: {  	[sflag:s29] =	ssyncset.done $0x0  }
0x9f: {  	[sflag:s29] =	ssyncadd.s32 $0xFFFFFFB0  }
0xa0: {  	[tilespmem:s28], [sflag:$0x1] =	stream.indirect.gather [hbm4b:s14+s1], $0x80, s12, s1, $0xb8;
	[tilespmem:$0x16E80] =	vst v63  }
0xa1: {  	_ =	swait.ge [sflag:s0], $0x2800  }
0xa2: {  	[sflag:s0] =	ssyncset.done $0x0  }
0xa3: {  	[sflag:s0] =	ssyncadd.s32 $0xFFFFD800  }
0xa4: {  	[spmem:s2] =	stream.indirect.scatter.add.f32 [tilespmem:s28], [sflag:$0x2], $0x80, s31, s1, $0xb8;
	[tilespmem:$0x16E80] =	vst v63  }
0xa5: {  	_ =	swait.ge [sflag:s29], $0x2800  }
.Ltmp1:
0xa6: {  	[sflag:s29] =	ssyncset.done $0x0;
	(pc) =	sbr.rel @p0 .LBB2_4-.Ltmp1, $4  }
0xa7: {  	[sflag:s29] =	ssyncadd.s32 $0xFFFFD800  }
0xa8: {  	[spmem:s3] =	stream.indirect.scatter.add.f32 [tilespmem:s4], [sflag:$0x2], $0x1, s31, s1, $0xb8;
	[tilespmem:$0x16E80] =	vst v63  }
0xa9: {  	_ =	swait.ge [sflag:s29], $0x50  }
0xaa: {  	s7 =	smov.u32 s10;
	[sflag:s29] =	ssyncset.done $0x0  }
0xab: {  	s7 =	sadd.s32 s6, s26;
	[sflag:s29] =	ssyncadd.s32 $0xFFFFFFB0  }
0xac: {  	[tilespmem:s12], [sflag:$0x2] =	stream.linear.gather [hbm4b:s7+s12], $0x50, $0x38;
	[tilespmem:$0x16E80] =	vst v63  }
0xad: {  	_ =	swait.ge [sflag:s29], $0x50  }
0xae: {  	[sflag:s29] =	ssyncset.done $0x0  }
0xaf: {  	s7 =	sadd.s32 s6, s13;
	[sflag:s29] =	ssyncadd.s32 $0xFFFFFFB0  }
0xb0: {  	[tilespmem:s31], [sflag:$0x2] =	stream.linear.gather [hbm4b:s7+s12], $0x50, $0x38;
	[tilespmem:$0x16E80] =	vst v63  }
0xb1: {  	_ =	swait.ge [sflag:s29], $0x50  }
0xb2: {  	[sflag:s29] =	ssyncset.done $0x0  }
0xb3: {  	[sflag:s29] =	ssyncadd.s32 $0xFFFFFFB0  }
0xb4: {  	[tilespmem:s28], [sflag:$0x1] =	stream.indirect.gather [hbm4b:s14+s1], $0x80, s12, s1, $0xb8;
	[tilespmem:$0x16E80] =	vst v63  }
0xb5: {  	_ =	swait.ge [sflag:s0], $0x2800  }
0xb6: {  	[sflag:s0] =	ssyncset.done $0x0  }
0xb7: {  	[sflag:s0] =	ssyncadd.s32 $0xFFFFD800  }
0xb8: {  	[spmem:s2] =	stream.indirect.scatter.add.f32 [tilespmem:s28], [sflag:$0x2], $0x80, s31, s1, $0xb8;
	[tilespmem:$0x16E80] =	vst v63  }
0xb9: {  	_ =	swait.ge [sflag:s29], $0x2800  }
0xba: {  	[sflag:s29] =	ssyncset.done $0x0  }
0xbb: {  	[sflag:s29] =	ssyncadd.s32 $0xFFFFD800  }
0xbc: {  	[spmem:s3] =	stream.indirect.scatter.add.f32 [tilespmem:s4], [sflag:$0x2], $0x1, s31, s1, $0xb8;
	[tilespmem:$0x16E80] =	vst v63  }
0xbd: {  	_ =	swait.ge [sflag:s29], $0x50  }
0xbe: {  	[sflag:s29] =	ssyncset.done $0x0  }
0xbf: {  	[sflag:s29] =	ssyncadd.s32 $0xFFFFFFB0  }
0xc0: {  	[bflag:$0x0] =	sbarrier.arrive $0xFFFF  }
0xc1: {  	[tilespmem:s28], [sflag:$0x2] =	stream.linear.gather [spmem:s15], $0x2800, $0x38;
	[tilespmem:$0x16E80] =	vst v63  }
0xc2: {  	_ =	swait.ge [sflag:s29], $0x2800  }
0xc3: {  	[sflag:s29] =	ssyncset.done $0x0  }
0xc4: {  	s8 =	rddreg [dreg:$0x5];
	[sflag:s29] =	ssyncadd.s32 $0xFFFFD800  }
0xc5: {  	[hbm4b:s8+s12] =	stream.linear.scatter [tilespmem:s28], [sflag:$0x2], $0x2800, $0x38;
	[tilespmem:$0x16E80] =	vst v63  }
0xc6: {  	_ =	swait.ge [sflag:s29], $0x2800  }
0xc7: {  	[sflag:s29] =	ssyncset.done $0x0  }
0xc8: {  	[sflag:s29] =	ssyncadd.s32 $0xFFFFD800  }
0xc9: {  	[tilespmem:s28], [sflag:$0x2] =	stream.linear.gather [spmem:s16], $0x2800, $0x38;
	[tilespmem:$0x16E80] =	vst v63  }
0xca: {  	_ =	swait.ge [sflag:s29], $0x2800  }
0xcb: {  	[sflag:s29] =	ssyncset.done $0x0  }
0xcc: {  	s9 =	rddreg [dreg:$0x6];
	[sflag:s29] =	ssyncadd.s32 $0xFFFFD800  }
0xcd: {  	[hbm4b:s9+s12] =	stream.linear.scatter [tilespmem:s28], [sflag:$0x2], $0x2800, $0x38;
	[tilespmem:$0x16E80] =	vst v63  }
0xce: {  	_ =	swait.ge [sflag:s29], $0x2800  }
0xcf: {  	[sflag:s29] =	ssyncset.done $0x0  }
0xd0: {  	[sflag:s29] =	ssyncadd.s32 $0xFFFFD800  }
0xd1: {  	[tilespmem:s28], [sflag:$0x2] =	stream.linear.gather [spmem:s17], $0x2800, $0x38;
	[tilespmem:$0x16E80] =	vst v63  }
0xd2: {  	_ =	swait.ge [sflag:s29], $0x2800  }
0xd3: {  	[sflag:s29] =	ssyncset.done $0x0  }
0xd4: {  	s10 =	rddreg [dreg:$0x7];
	[sflag:s29] =	ssyncadd.s32 $0xFFFFD800  }
0xd5: {  	[hbm4b:s10+s12] =	stream.linear.scatter [tilespmem:s28], [sflag:$0x2], $0x2800, $0x38;
	[tilespmem:$0x16E80] =	vst v63  }
0xd6: {  	_ =	swait.ge [sflag:s29], $0x2800  }
0xd7: {  	[sflag:s29] =	ssyncset.done $0x0  }
0xd8: {  	[sflag:s29] =	ssyncadd.s32 $0xFFFFD800  }
0xd9: {  	[tilespmem:s28], [sflag:$0x2] =	stream.linear.gather [spmem:s18], $0x2800, $0x38;
	[tilespmem:$0x16E80] =	vst v63  }
0xda: {  	_ =	swait.ge [sflag:s29], $0x2800  }
0xdb: {  	[sflag:s29] =	ssyncset.done $0x0  }
0xdc: {  	s7 =	rddreg [dreg:$0x8];
	[sflag:s29] =	ssyncadd.s32 $0xFFFFD800  }
0xdd: {  	[hbm4b:s7+s12] =	stream.linear.scatter [tilespmem:s28], [sflag:$0x2], $0x2800, $0x38;
	[tilespmem:$0x16E80] =	vst v63  }
0xde: {  	_ =	swait.ge [sflag:s29], $0x2800  }
0xdf: {  	[sflag:s29] =	ssyncset.done $0x0  }
0xe0: {  	[sflag:s29] =	ssyncadd.s32 $0xFFFFD800  }
0xe1: {  	[tilespmem:s28], [sflag:$0x2] =	stream.linear.gather [spmem:s19], $0x2800, $0x38;
	[tilespmem:$0x16E80] =	vst v63  }
0xe2: {  	_ =	swait.ge [sflag:s29], $0x2800  }
0xe3: {  	[sflag:s29] =	ssyncset.done $0x0  }
0xe4: {  	s8 =	rddreg [dreg:$0x9];
	[sflag:s29] =	ssyncadd.s32 $0xFFFFD800  }
0xe5: {  	[hbm4b:s8+s12] =	stream.linear.scatter [tilespmem:s28], [sflag:$0x2], $0x2800, $0x38;
	[tilespmem:$0x16E80] =	vst v63  }
0xe6: {  	_ =	swait.ge [sflag:s29], $0x2800  }
0xe7: {  	[sflag:s29] =	ssyncset.done $0x0  }
0xe8: {  	[sflag:s29] =	ssyncadd.s32 $0xFFFFD800  }
0xe9: {  	[tilespmem:s28], [sflag:$0x2] =	stream.linear.gather [spmem:s20], $0x2800, $0x38;
	[tilespmem:$0x16E80] =	vst v63  }
0xea: {  	_ =	swait.ge [sflag:s29], $0x2800  }
0xeb: {  	[sflag:s29] =	ssyncset.done $0x0  }
0xec: {  	s9 =	rddreg [dreg:$0xa];
	[sflag:s29] =	ssyncadd.s32 $0xFFFFD800  }
0xed: {  	[hbm4b:s9+s12] =	stream.linear.scatter [tilespmem:s28], [sflag:$0x2], $0x2800, $0x38;
	[tilespmem:$0x16E80] =	vst v63  }
0xee: {  	_ =	swait.ge [sflag:s29], $0x2800  }
0xef: {  	[sflag:s29] =	ssyncset.done $0x0  }
0xf0: {  	[sflag:s29] =	ssyncadd.s32 $0xFFFFD800  }
0xf1: {  	[tilespmem:s28], [sflag:$0x2] =	stream.linear.gather [spmem:s21], $0x2800, $0x38;
	[tilespmem:$0x16E80] =	vst v63  }
0xf2: {  	_ =	swait.ge [sflag:s29], $0x2800  }
0xf3: {  	[sflag:s29] =	ssyncset.done $0x0  }
0xf4: {  	s10 =	rddreg [dreg:$0xb];
	[sflag:s29] =	ssyncadd.s32 $0xFFFFD800  }
0xf5: {  	[hbm4b:s10+s12] =	stream.linear.scatter [tilespmem:s28], [sflag:$0x2], $0x2800, $0x38;
	[tilespmem:$0x16E80] =	vst v63  }
0xf6: {  	_ =	swait.ge [sflag:s29], $0x2800  }
0xf7: {  	[sflag:s29] =	ssyncset.done $0x0  }
0xf8: {  	[sflag:s29] =	ssyncadd.s32 $0xFFFFD800  }
0xf9: {  	[tilespmem:s28], [sflag:$0x2] =	stream.linear.gather [spmem:s22], $0x2800, $0x38;
	[tilespmem:$0x16E80] =	vst v63  }
0xfa: {  	_ =	swait.ge [sflag:s29], $0x2800  }
0xfb: {  	[sflag:s29] =	ssyncset.done $0x0  }
0xfc: {  	[sflag:s29] =	ssyncadd.s32 $0xFFFFD800  }
0xfd: {  	[hbm4b:s11+s12] =	stream.linear.scatter [tilespmem:s28], [sflag:$0x2], $0x2800, $0x38;
	[tilespmem:$0x16E80] =	vst v63  }
0xfe: {  	_ =	swait.ge [sflag:s29], $0x2800  }
0xff: {  	[sflag:s29] =	ssyncset.done $0x0  }
0x100: {  	[sflag:s29] =	ssyncadd.s32 $0xFFFFD800  }
0x101: {  	[tilespmem:s30], [sflag:$0x2] =	stream.linear.gather [spmem:s23], $0x280, $0x38;
	[tilespmem:$0x16E80] =	vst v63  }
0x102: {  	s5 =	sadd.s32 $0x1, s5;
	_ =	swait.ge [sflag:s29], $0x280  }
0x103: {  	p0 =	sne.s32 s5, s25;
	[sflag:s29] =	ssyncset.done $0x0  }
.Ltmp2:
0x104: {  	[sflag:s29] =	ssyncadd.s32 $0xFFFFFD80;
	(pc) =	sbr.rel @p0 .LBB2_1-.Ltmp2, $4  }
0x105: {  	[hbm4b:s24+s31] =	stream.strided.scatter [tilespmem:s30], [sflag:$0x2], $0x280, s28, s31, $0x38;
	[tilespmem:$0x16E80] =	vst v63  }
0x106: {  	_ =	swait.ge [sflag:s29], $0x280  }
0x107: {  	[sflag:s29] =	ssyncset.done $0x0  }
0x108: {  	[sflag:s29] =	ssyncadd.s32 $0xFFFFFD80  }
0x109: {  	_ =	sfence.sel $0x180000  }
0x10a: {  	[bflag:$0x0] =	sbarrier.arrive $0xFFFF  }
0x10b: {  	_ =	strace $0x90000047  }
0x10c: {  	s0 =	stileid.u32;
	[bflag:$0x2] =	sbarrier.arrive $0xFFFF  }
0x10d: {  	p0 =	sne.s32 s0, $0x0;
	s0 =	rddreg [dreg:$0x4]  }
0x10e: {  	s0 =	sadd.s32 @!p0 $0x100000, s0  }
0x10f: {  	[sflag:s0] =	ssyncadd.tile.s32 @!p0 $0x1;
	_ =	shalt  }
.Lfunc_end2:
_tile_overlayer_lowered:
.L_overlay_start_2:
0x110: {  	(tag) =	ssettag $0x2  }
0x111: {  	s0 =	rddreg [dreg:$0x0];
	s2 =	stileid.u32  }
0x112: {  	s1 =	rddreg [dreg:$0x1];
	p0 =	sne.s32 s2, $0x0  }
0x113: {  	s3 =	rddreg [dreg:$0x2];
	[bflag:$0x3] =	sbarrier.arrive $0xFFFF;
	s2 =	simm.s32 @!p0 $0x1C02  }
0x114: {  	[timem:s3], [sflag:s2] =	dma.local @!p0 [hbm:s0], s1  }
0x115: {  	s0 =	simm.s32 @!p0 $0x2  }
0x116: {  	_ =	swait.ge @!p0 [sflag:s0], s1  }
0x117: {  	s1 =	ssub.s32 @!p0 $0x0, s1;
	[sflag:s0] =	ssyncset.done @!p0 $0x0  }
0x118: {  	[sflag:s0] =	ssyncadd.s32 @!p0 s1  }
0x119: {  	[bflag:$0x3] =	sbarrier.arrive $0xFFFF  }
0x11a: {  	_ =	shalt  }

</sc_bundles>
